<compile_context>
chip_gen: v7x
topology: tpu7x:2x2x1
jax: 0.10.2.dev20260603
libtpu: 0.0.44.dev20260713+nightly
codegen_flags: <defaults>
</compile_context>

<pallas_src>
import dataclasses

import jax
import jax.numpy as jnp
from jax import lax
from jax.experimental import pallas as pl
from jax.experimental.pallas import tpu as pltpu
from jax.experimental.pallas import tpu_sc as plsc

_B, _L, _K, _H = 16, 256, 32, 32
_CR = 8
_NCHUNK = _L // _CR
_HHALF = _H // 2


def _sc_body(dist_hbm, emb_hbm, out_hbm, emb_v, d0, d1, o0, o1,
             sem_e, sem_d0, sem_d1, sem_o0, sem_o1):
    wid = lax.axis_index("s") * 2 + lax.axis_index("c")
    b = wid // 2
    hbase = (wid % 2) * _HHALF
    pltpu.async_copy(emb_hbm, emb_v, sem_e).wait()
    pltpu.async_copy(dist_hbm.at[b, pl.ds(0, _CR), :], d0, sem_d0)

    dbufs, dsems = (d0, d1), (sem_d0, sem_d1)
    obufs, osems = (o0, o1), (sem_o0, sem_o1)
    hbases = [jnp.broadcast_to((hbase + h) * _K, (16,)) for h in range(_HHALF)]

    @pl.loop(0, _NCHUNK // 2)
    def _pair(cc):
        for p in (0, 1):
            c0 = 2 * cc + p
            dbuf, dsem = dbufs[p], dsems[p]
            obuf, osem = obufs[p], osems[p]
            pltpu.make_async_copy(
                dist_hbm.at[b, pl.ds(0, _CR), :], dbuf, dsem).wait()

            @pl.when(c0 + 1 < _NCHUNK)
            def _():
                pltpu.async_copy(
                    dist_hbm.at[b, pl.ds((c0 + 1) * _CR, _CR), :],
                    dbufs[1 - p], dsems[1 - p])

            @pl.when(c0 >= 2)
            def _():
                pltpu.make_async_copy(
                    obuf,
                    out_hbm.at[b, pl.ds(hbase, _HHALF), pl.ds(0, _CR), :],
                    osem).wait()

            @pl.loop(0, _CR)
            def _row(r):
                @plsc.parallel_loop(0, _L, 16, unroll=1)
                def _vec(i):
                    dv = dbuf[r, pl.ds(i, 16)]
                    vals = [plsc.load_gather(emb_v, [dv + hbases[h]])
                            for h in range(_HHALF)]
                    for h in range(_HHALF):
                        obuf[h, r, pl.ds(i, 16)] = vals[h]

            pltpu.async_copy(
                obuf,
                out_hbm.at[b, pl.ds(hbase, _HHALF), pl.ds(c0 * _CR, _CR), :],
                osem)

    for p in (0, 1):
        pltpu.make_async_copy(
            obufs[p],
            out_hbm.at[b, pl.ds(hbase, _HHALF), pl.ds(0, _CR), :],
            osems[p]).wait()


def kernel(hop_dist, hop_emb):
    B, L, _ = hop_dist.shape
    K, H = hop_emb.shape
    mesh = plsc.VectorSubcoreMesh(core_axis_name="c", subcore_axis_name="s")
    cp = pltpu.CompilerParams()
    if "needs_layout_passes" in pltpu.CompilerParams.__dataclass_fields__:
        cp = dataclasses.replace(cp, needs_layout_passes=False)
    k = pl.kernel(
        _sc_body,
        out_type=jax.ShapeDtypeStruct((B, H, L, L), jnp.float32),
        mesh=mesh,
        compiler_params=cp,
        scratch_types=[
            pltpu.VMEM((H * K,), jnp.float32),
            pltpu.VMEM((_CR, _L), jnp.int32),
            pltpu.VMEM((_CR, _L), jnp.int32),
            pltpu.VMEM((_HHALF, _CR, _L), jnp.float32),
            pltpu.VMEM((_HHALF, _CR, _L), jnp.float32),
            pltpu.SemaphoreType.DMA,
            pltpu.SemaphoreType.DMA,
            pltpu.SemaphoreType.DMA,
            pltpu.SemaphoreType.DMA,
            pltpu.SemaphoreType.DMA,
        ],
    )
    embT_flat = hop_emb.T.reshape(-1)
    return k(hop_dist, embT_flat)

# --- scband reference (transcript-rebuilt; emitter-appended) ---
"""Pipeline reference for scband-graph-attn-hop-bias-47278999994857 (READ-ONLY COPY).

The authoritative reference and input builder live on the scoring server;
editing this copy changes nothing except your own understanding.
"""

import jax, jax.numpy as jnp
import numpy as np

B, L, NUM_HOPS, H = 16, 256, 32, 32


def setup_inputs(seed: int = 0) -> dict:
    key = jax.random.key(seed)
    k1, k2 = jax.random.split(key)
    # hop_dist is passed 3D [B, L, L] so the module skips ptr-based splitting
    hop_dist = jax.random.randint(k1, (B, L, L), 0, NUM_HOPS, dtype=jnp.int32)
    # xavier_uniform init for nn.Embedding(num_hops, num_heads)
    a = float(np.sqrt(6.0 / (NUM_HOPS + H)))
    hop_emb = jax.random.uniform(k2, (NUM_HOPS, H), dtype=jnp.float32, minval=-a, maxval=a)
    return {"hop_dist": hop_dist, "hop_emb": hop_emb}


def reference(hop_dist, hop_emb):
    # use_super_node=False -> plain embedding lookup then permute(0,3,1,2)
    bias = jnp.take(hop_emb, hop_dist, axis=0)  # [B, L, L, H]
    return jnp.transpose(bias, (0, 3, 1, 2))    # [B, H, L, L]

if __name__ == "__main__":
    import jax
    _d = setup_inputs()
    print(jax.jit(kernel)(*tuple(_d.values())))

</pallas_src>

<mosaic_0001>
#map = affine_map<(d0, d1) -> (0, 0, 0)>
#map1 = affine_map<(d0, d1) -> (0)>
#map2 = affine_map<(d0, d1) -> (0, 0, 0, 0)>
module attributes {stable_mosaic.version = 14 : i64} {
  func.func @_sc_body(%arg0: i32, %arg1: i32, %arg2: memref<16x256x256xi32, #tpu.memory_space<hbm>>, %arg3: memref<1024xf32, #tpu.memory_space<hbm>>, %arg4: memref<16x32x256x256xf32, #tpu.memory_space<hbm>>, %arg5: memref<1024xf32, #tpu.memory_space<vmem>>, %arg6: memref<8x256xi32, #tpu.memory_space<vmem>>, %arg7: memref<8x256xi32, #tpu.memory_space<vmem>>, %arg8: memref<16x8x256xf32, #tpu.memory_space<vmem>>, %arg9: memref<16x8x256xf32, #tpu.memory_space<vmem>>, %arg10: memref<!tpu.dma_semaphore, #tpu.memory_space<semaphore_mem>>, %arg11: memref<!tpu.dma_semaphore, #tpu.memory_space<semaphore_mem>>, %arg12: memref<!tpu.dma_semaphore, #tpu.memory_space<semaphore_mem>>, %arg13: memref<!tpu.dma_semaphore, #tpu.memory_space<semaphore_mem>>, %arg14: memref<!tpu.dma_semaphore, #tpu.memory_space<semaphore_mem>>) attributes {dimension_semantics = [#tpu.dimension_semantics<core_parallel>, #tpu.dimension_semantics<subcore_parallel>], iteration_bounds = array<i64: 2, 16>, scalar_prefetch = 0 : i64, scratch_operands = 10 : i64, tpu.core_type = #tpu.core_type<sc_vector_subcore>, window_params = [{transform_indices = #map}, {transform_indices = #map1}, {transform_indices = #map2}]} {
    %mul3A = arith.constant 2 : i32
    %mul3A_0 = arith.muli %arg1, %mul3A : i32
    %add3A = arith.addi %mul3A_0, %arg0 : i32
    %jit3A = arith.constant 2 : i32
    %div3A = arith.divsi %add3A, %jit3A : i32
    %sign3A = arith.constant 0 : i32
    %sign3A_1 = arith.cmpi sgt, %add3A, %sign3A : i32
    %sign3A_2 = arith.extui %sign3A_1 : i1 to i32
    %sign3A_3 = arith.constant 0 : i32
    %sign3A_4 = arith.cmpi slt, %add3A, %sign3A_3 : i32
    %sign3A_5 = arith.extui %sign3A_4 : i1 to i32
    %sign3A_6 = arith.subi %sign3A_2, %sign3A_5 : i32
    %sign3A_7 = arith.constant 0 : i32
    %sign3A_8 = arith.cmpi sgt, %jit3A, %sign3A_7 : i32
    %sign3A_9 = arith.extui %sign3A_8 : i1 to i32
    %sign3A_10 = arith.constant 0 : i32
    %sign3A_11 = arith.cmpi slt, %jit3A, %sign3A_10 : i32
    %sign3A_12 = arith.extui %sign3A_11 : i1 to i32
    %sign3A_13 = arith.subi %sign3A_9, %sign3A_12 : i32
    %ne3A = arith.cmpi ne, %sign3A_6, %sign3A_13 : i32
    %rem3A = arith.remsi %add3A, %jit3A : i32
    %ne3A_14 = arith.constant 0 : i32
    %ne3A_15 = arith.cmpi ne, %rem3A, %ne3A_14 : i32
    %and3A = arith.andi %ne3A, %ne3A_15 : i1
    %sub3A = arith.constant 1 : i32
    %sub3A_16 = arith.subi %div3A, %sub3A : i32
    %select_n3A = arith.select %and3A, %sub3A_16, %div3A : i32
    %jit3A_17 = arith.constant 2 : i32
    %eq3A = arith.constant 0 : i32
    %eq3A_18 = arith.cmpi eq, %jit3A_17, %eq3A : i32
    %jit3A_19 = arith.constant 1 : i32
    %select_n3A_20 = arith.select %eq3A_18, %jit3A_19, %jit3A_17 : i32
    %rem3A_21 = arith.remsi %add3A, %select_n3A_20 : i32
    %ne3A_22 = arith.constant 0 : i32
    %ne3A_23 = arith.cmpi ne, %rem3A_21, %ne3A_22 : i32
    %lt3A = arith.constant 0 : i32
    %lt3A_24 = arith.cmpi slt, %rem3A_21, %lt3A : i32
    %lt3A_25 = arith.constant 0 : i32
    %lt3A_26 = arith.cmpi slt, %select_n3A_20, %lt3A_25 : i32
    %ne3A_27 = arith.xori %lt3A_24, %lt3A_26 : i1
    %and3A_28 = arith.andi %ne3A_27, %ne3A_23 : i1
    %add3A_29 = arith.addi %rem3A_21, %select_n3A_20 : i32
    %select_n3A_30 = arith.select %and3A_28, %add3A_29, %rem3A_21 : i32
    %mul3A_31 = arith.constant 16 : i32
    %mul3A_32 = arith.muli %select_n3A_30, %mul3A_31 : i32
    tpu.enqueue_dma source(%arg3 : memref<1024xf32, #tpu.memory_space<hbm>>) target(%arg5 : memref<1024xf32, #tpu.memory_space<vmem>>) target_semaphore(%arg10 : memref<!tpu.dma_semaphore, #tpu.memory_space<semaphore_mem>>)
    tpu.wait_dma2 semaphore(%arg10 : memref<!tpu.dma_semaphore, #tpu.memory_space<semaphore_mem>>) src(%arg3 : memref<1024xf32, #tpu.memory_space<hbm>>) dst(%arg5 : memref<1024xf32, #tpu.memory_space<vmem>>)
    %dma_start3A = arith.constant 0 : i32
    %dma_start3A_33 = arith.constant 0 : i32
    %dma_start3A_34 = tpu.memref_slice %arg2[%select_n3A, %dma_start3A, %dma_start3A_33] : memref<16x256x256xi32, #tpu.memory_space<hbm>> -> memref<1x8x256xi32, #tpu.memory_space<hbm>>
    %dma_start3A_35 = tpu.memref_squeeze %dma_start3A_34 : memref<1x8x256xi32, #tpu.memory_space<hbm>> -> memref<8x256xi32, #tpu.memory_space<hbm>>
    %dma_start3A_36 = arith.constant 0 : i32
    %dma_start3A_37 = arith.constant 0 : i32
    %dma_start3A_38 = tpu.memref_slice %arg2[%select_n3A, %dma_start3A_36, %dma_start3A_37] : memref<16x256x256xi32, #tpu.memory_space<hbm>> -> memref<1x8x256xi32, #tpu.memory_space<hbm>>
    %dma_start3A_39 = tpu.memref_squeeze %dma_start3A_38 : memref<1x8x256xi32, #tpu.memory_space<hbm>> -> memref<8x256xi32, #tpu.memory_space<hbm>>
    tpu.enqueue_dma source(%dma_start3A_39 : memref<8x256xi32, #tpu.memory_space<hbm>>) target(%arg6 : memref<8x256xi32, #tpu.memory_space<vmem>>) target_semaphore(%arg11 : memref<!tpu.dma_semaphore, #tpu.memory_space<semaphore_mem>>)
    %add3A_40 = arith.constant 0 : i32
    %add3A_41 = arith.addi %mul3A_32, %add3A_40 : i32
    %mul3A_42 = arith.constant 32 : i32
    %mul3A_43 = arith.muli %add3A_41, %mul3A_42 : i32
    %broadcast_in_dim3A = vector.broadcast %mul3A_43 : i32 to vector<16xi32>
    %add3A_44 = arith.constant 1 : i32
    %add3A_45 = arith.addi %mul3A_32, %add3A_44 : i32
    %mul3A_46 = arith.constant 32 : i32
    %mul3A_47 = arith.muli %add3A_45, %mul3A_46 : i32
    %broadcast_in_dim3A_48 = vector.broadcast %mul3A_47 : i32 to vector<16xi32>
    %add3A_49 = arith.constant 2 : i32
    %add3A_50 = arith.addi %mul3A_32, %add3A_49 : i32
    %mul3A_51 = arith.constant 32 : i32
    %mul3A_52 = arith.muli %add3A_50, %mul3A_51 : i32
    %broadcast_in_dim3A_53 = vector.broadcast %mul3A_52 : i32 to vector<16xi32>
    %add3A_54 = arith.constant 3 : i32
    %add3A_55 = arith.addi %mul3A_32, %add3A_54 : i32
    %mul3A_56 = arith.constant 32 : i32
    %mul3A_57 = arith.muli %add3A_55, %mul3A_56 : i32
    %broadcast_in_dim3A_58 = vector.broadcast %mul3A_57 : i32 to vector<16xi32>
    %add3A_59 = arith.constant 4 : i32
    %add3A_60 = arith.addi %mul3A_32, %add3A_59 : i32
    %mul3A_61 = arith.constant 32 : i32
    %mul3A_62 = arith.muli %add3A_60, %mul3A_61 : i32
    %broadcast_in_dim3A_63 = vector.broadcast %mul3A_62 : i32 to vector<16xi32>
    %add3A_64 = arith.constant 5 : i32
    %add3A_65 = arith.addi %mul3A_32, %add3A_64 : i32
    %mul3A_66 = arith.constant 32 : i32
    %mul3A_67 = arith.muli %add3A_65, %mul3A_66 : i32
    %broadcast_in_dim3A_68 = vector.broadcast %mul3A_67 : i32 to vector<16xi32>
    %add3A_69 = arith.constant 6 : i32
    %add3A_70 = arith.addi %mul3A_32, %add3A_69 : i32
    %mul3A_71 = arith.constant 32 : i32
    %mul3A_72 = arith.muli %add3A_70, %mul3A_71 : i32
    %broadcast_in_dim3A_73 = vector.broadcast %mul3A_72 : i32 to vector<16xi32>
    %add3A_74 = arith.constant 7 : i32
    %add3A_75 = arith.addi %mul3A_32, %add3A_74 : i32
    %mul3A_76 = arith.constant 32 : i32
    %mul3A_77 = arith.muli %add3A_75, %mul3A_76 : i32
    %broadcast_in_dim3A_78 = vector.broadcast %mul3A_77 : i32 to vector<16xi32>
    %add3A_79 = arith.constant 8 : i32
    %add3A_80 = arith.addi %mul3A_32, %add3A_79 : i32
    %mul3A_81 = arith.constant 32 : i32
    %mul3A_82 = arith.muli %add3A_80, %mul3A_81 : i32
    %broadcast_in_dim3A_83 = vector.broadcast %mul3A_82 : i32 to vector<16xi32>
    %add3A_84 = arith.constant 9 : i32
    %add3A_85 = arith.addi %mul3A_32, %add3A_84 : i32
    %mul3A_86 = arith.constant 32 : i32
    %mul3A_87 = arith.muli %add3A_85, %mul3A_86 : i32
    %broadcast_in_dim3A_88 = vector.broadcast %mul3A_87 : i32 to vector<16xi32>
    %add3A_89 = arith.constant 10 : i32
    %add3A_90 = arith.addi %mul3A_32, %add3A_89 : i32
    %mul3A_91 = arith.constant 32 : i32
    %mul3A_92 = arith.muli %add3A_90, %mul3A_91 : i32
    %broadcast_in_dim3A_93 = vector.broadcast %mul3A_92 : i32 to vector<16xi32>
    %add3A_94 = arith.constant 11 : i32
    %add3A_95 = arith.addi %mul3A_32, %add3A_94 : i32
    %mul3A_96 = arith.constant 32 : i32
    %mul3A_97 = arith.muli %add3A_95, %mul3A_96 : i32
    %broadcast_in_dim3A_98 = vector.broadcast %mul3A_97 : i32 to vector<16xi32>
    %add3A_99 = arith.constant 12 : i32
    %add3A_100 = arith.addi %mul3A_32, %add3A_99 : i32
    %mul3A_101 = arith.constant 32 : i32
    %mul3A_102 = arith.muli %add3A_100, %mul3A_101 : i32
    %broadcast_in_dim3A_103 = vector.broadcast %mul3A_102 : i32 to vector<16xi32>
    %add3A_104 = arith.constant 13 : i32
    %add3A_105 = arith.addi %mul3A_32, %add3A_104 : i32
    %mul3A_106 = arith.constant 32 : i32
    %mul3A_107 = arith.muli %add3A_105, %mul3A_106 : i32
    %broadcast_in_dim3A_108 = vector.broadcast %mul3A_107 : i32 to vector<16xi32>
    %add3A_109 = arith.constant 14 : i32
    %add3A_110 = arith.addi %mul3A_32, %add3A_109 : i32
    %mul3A_111 = arith.constant 32 : i32
    %mul3A_112 = arith.muli %add3A_110, %mul3A_111 : i32
    %broadcast_in_dim3A_113 = vector.broadcast %mul3A_112 : i32 to vector<16xi32>
    %add3A_114 = arith.constant 15 : i32
    %add3A_115 = arith.addi %mul3A_32, %add3A_114 : i32
    %mul3A_116 = arith.constant 32 : i32
    %mul3A_117 = arith.muli %add3A_115, %mul3A_116 : i32
    %broadcast_in_dim3A_118 = vector.broadcast %mul3A_117 : i32 to vector<16xi32>
    %scan3A = arith.constant 0 : i32
    %scan3A_119 = arith.constant 16 : i32
    %scan3A_120 = arith.addi %scan3A, %scan3A_119 : i32
    %scan3A_121 = arith.constant 1 : i32
    scf.for %scan3A_138 = %scan3A to %scan3A_120 step %scan3A_121  : i32 {
      %mul3A_139 = arith.constant 1 : i32
      %mul3A_140 = arith.muli %scan3A_138, %mul3A_139 : i32
      %add3A_141 = arith.constant 0 : i32
      %add3A_142 = arith.addi %add3A_141, %mul3A_140 : i32
      %mul3A_143 = arith.constant 2 : i32
      %mul3A_144 = arith.muli %mul3A_143, %add3A_142 : i32
      %add3A_145 = arith.constant 0 : i32
      %add3A_146 = arith.addi %mul3A_144, %add3A_145 : i32
      %dma_wait3A_147 = arith.constant 0 : i32
      %dma_wait3A_148 = arith.constant 0 : i32
      %dma_wait3A_149 = tpu.memref_slice %arg2[%select_n3A, %dma_wait3A_147, %dma_wait3A_148] : memref<16x256x256xi32, #tpu.memory_space<hbm>> -> memref<1x8x256xi32, #tpu.memory_space<hbm>>
      %dma_wait3A_150 = tpu.memref_squeeze %dma_wait3A_149 : memref<1x8x256xi32, #tpu.memory_space<hbm>> -> memref<8x256xi32, #tpu.memory_space<hbm>>
      %dma_wait3A_151 = arith.constant 0 : i32
      %dma_wait3A_152 = arith.constant 0 : i32
      %dma_wait3A_153 = tpu.memref_slice %arg2[%select_n3A, %dma_wait3A_151, %dma_wait3A_152] : memref<16x256x256xi32, #tpu.memory_space<hbm>> -> memref<1x8x256xi32, #tpu.memory_space<hbm>>
      %dma_wait3A_154 = tpu.memref_squeeze %dma_wait3A_153 : memref<1x8x256xi32, #tpu.memory_space<hbm>> -> memref<8x256xi32, #tpu.memory_space<hbm>>
      tpu.wait_dma2 semaphore(%arg11 : memref<!tpu.dma_semaphore, #tpu.memory_space<semaphore_mem>>) src(%dma_wait3A_154 : memref<8x256xi32, #tpu.memory_space<hbm>>) dst(%arg6 : memref<8x256xi32, #tpu.memory_space<vmem>>)
      %add3A_155 = arith.constant 1 : i32
      %add3A_156 = arith.addi %add3A_146, %add3A_155 : i32
      %lt3A_157 = arith.constant 32 : i32
      %lt3A_158 = arith.cmpi slt, %add3A_156, %lt3A_157 : i32
      %convert_element_type3A = arith.extui %lt3A_158 : i1 to i32
      %cond3A = arith.constant 0 : i32
      %cond3A_159 = arith.cmpi ne, %convert_element_type3A, %cond3A : i32
      scf.if %cond3A_159 {
        %add3A_214 = arith.constant 1 : i32
        %add3A_215 = arith.addi %add3A_146, %add3A_214 : i32
        %mul3A_216 = arith.constant 8 : i32
        %mul3A_217 = arith.muli %add3A_215, %mul3A_216 : i32
        %dma_start3A_218 = arith.constant 0 : i32
        %dma_start3A_219 = tpu.memref_slice %arg2[%select_n3A, %mul3A_217, %dma_start3A_218] : memref<16x256x256xi32, #tpu.memory_space<hbm>> -> memref<1x8x256xi32, #tpu.memory_space<hbm>>
        %dma_start3A_220 = tpu.memref_squeeze %dma_start3A_219 : memref<1x8x256xi32, #tpu.memory_space<hbm>> -> memref<8x256xi32, #tpu.memory_space<hbm>>
        %dma_start3A_221 = arith.constant 0 : i32
        %dma_start3A_222 = tpu.memref_slice %arg2[%select_n3A, %mul3A_217, %dma_start3A_221] : memref<16x256x256xi32, #tpu.memory_space<hbm>> -> memref<1x8x256xi32, #tpu.memory_space<hbm>>
        %dma_start3A_223 = tpu.memref_squeeze %dma_start3A_222 : memref<1x8x256xi32, #tpu.memory_space<hbm>> -> memref<8x256xi32, #tpu.memory_space<hbm>>
        tpu.enqueue_dma source(%dma_start3A_223 : memref<8x256xi32, #tpu.memory_space<hbm>>) target(%arg7 : memref<8x256xi32, #tpu.memory_space<vmem>>) target_semaphore(%arg12 : memref<!tpu.dma_semaphore, #tpu.memory_space<semaphore_mem>>)
      } else {
      }
      %ge3A = arith.constant 2 : i32
      %ge3A_160 = arith.cmpi sge, %add3A_146, %ge3A : i32
      %convert_element_type3A_161 = arith.extui %ge3A_160 : i1 to i32
      %cond3A_162 = arith.constant 0 : i32
      %cond3A_163 = arith.cmpi ne, %convert_element_type3A_161, %cond3A_162 : i32
      scf.if %cond3A_163 {
        %dma_wait3A_214 = arith.constant 0 : i32
        %dma_wait3A_215 = arith.constant 0 : i32
        %dma_wait3A_216 = tpu.memref_slice %arg4[%select_n3A, %mul3A_32, %dma_wait3A_214, %dma_wait3A_215] : memref<16x32x256x256xf32, #tpu.memory_space<hbm>> -> memref<1x16x8x256xf32, #tpu.memory_space<hbm>>
        %dma_wait3A_217 = tpu.memref_squeeze %dma_wait3A_216 : memref<1x16x8x256xf32, #tpu.memory_space<hbm>> -> memref<16x8x256xf32, #tpu.memory_space<hbm>>
        %dma_wait3A_218 = arith.constant 0 : i32
        %dma_wait3A_219 = arith.constant 0 : i32
        %dma_wait3A_220 = tpu.memref_slice %arg4[%select_n3A, %mul3A_32, %dma_wait3A_218, %dma_wait3A_219] : memref<16x32x256x256xf32, #tpu.memory_space<hbm>> -> memref<1x16x8x256xf32, #tpu.memory_space<hbm>>
        %dma_wait3A_221 = tpu.memref_squeeze %dma_wait3A_220 : memref<1x16x8x256xf32, #tpu.memory_space<hbm>> -> memref<16x8x256xf32, #tpu.memory_space<hbm>>
        tpu.wait_dma2 semaphore(%arg13 : memref<!tpu.dma_semaphore, #tpu.memory_space<semaphore_mem>>) src(%arg8 : memref<16x8x256xf32, #tpu.memory_space<vmem>>) dst(%dma_wait3A_221 : memref<16x8x256xf32, #tpu.memory_space<hbm>>)
      } else {
      }
      %scan3A_164 = arith.constant 0 : i32
      %scan3A_165 = arith.constant 8 : i32
      %scan3A_166 = arith.addi %scan3A_164, %scan3A_165 : i32
      %scan3A_167 = arith.constant 1 : i32
      scf.for %scan3A_214 = %scan3A_164 to %scan3A_166 step %scan3A_167  : i32 {
        %mul3A_215 = arith.constant 1 : i32
        %mul3A_216 = arith.muli %scan3A_214, %mul3A_215 : i32
        %add3A_217 = arith.constant 0 : i32
        %add3A_218 = arith.addi %add3A_217, %mul3A_216 : i32
        %parallel_loop3A = arith.constant 0 : i32
        %parallel_loop3A_219 = arith.constant 256 : i32
        %parallel_loop3A_220 = arith.constant 16 : i32
        scf.for %parallel_loop3A_221 = %parallel_loop3A to %parallel_loop3A_219 step %parallel_loop3A_220  : i32 {
          %parallel_loop3A_222 = arith.index_cast %add3A_218 : i32 to index
          %parallel_loop3A_223 = arith.index_cast %parallel_loop3A_221 : i32 to index
          %parallel_loop3A_224 = tpu.vector_load %arg6[%parallel_loop3A_222, %parallel_loop3A_223] {strides = array<i32>} : memref<8x256xi32, #tpu.memory_space<vmem>>, vector<16xi32>,
          %parallel_loop3A_225 = arith.addi %parallel_loop3A_224, %broadcast_in_dim3A : vector<16xi32>
          %parallel_loop3A_226 = tpu.vector_load_idx %arg5[%parallel_loop3A_225] : memref<1024xf32, #tpu.memory_space<vmem>>[vector<16xi32>], vector<16xf32>,
          %parallel_loop3A_227 = arith.addi %parallel_loop3A_224, %broadcast_in_dim3A_48 : vector<16xi32>
          %parallel_loop3A_228 = tpu.vector_load_idx %arg5[%parallel_loop3A_227] : memref<1024xf32, #tpu.memory_space<vmem>>[vector<16xi32>], vector<16xf32>,
          %parallel_loop3A_229 = arith.addi %parallel_loop3A_224, %broadcast_in_dim3A_53 : vector<16xi32>
          %parallel_loop3A_230 = tpu.vector_load_idx %arg5[%parallel_loop3A_229] : memref<1024xf32, #tpu.memory_space<vmem>>[vector<16xi32>], vector<16xf32>,
          %parallel_loop3A_231 = arith.addi %parallel_loop3A_224, %broadcast_in_dim3A_58 : vector<16xi32>
          %parallel_loop3A_232 = tpu.vector_load_idx %arg5[%parallel_loop3A_231] : memref<1024xf32, #tpu.memory_space<vmem>>[vector<16xi32>], vector<16xf32>,
          %parallel_loop3A_233 = arith.addi %parallel_loop3A_224, %broadcast_in_dim3A_63 : vector<16xi32>
          %parallel_loop3A_234 = tpu.vector_load_idx %arg5[%parallel_loop3A_233] : memref<1024xf32, #tpu.memory_space<vmem>>[vector<16xi32>], vector<16xf32>,
          %parallel_loop3A_235 = arith.addi %parallel_loop3A_224, %broadcast_in_dim3A_68 : vector<16xi32>
          %parallel_loop3A_236 = tpu.vector_load_idx %arg5[%parallel_loop3A_235] : memref<1024xf32, #tpu.memory_space<vmem>>[vector<16xi32>], vector<16xf32>,
          %parallel_loop3A_237 = arith.addi %parallel_loop3A_224, %broadcast_in_dim3A_73 : vector<16xi32>
          %parallel_loop3A_238 = tpu.vector_load_idx %arg5[%parallel_loop3A_237] : memref<1024xf32, #tpu.memory_space<vmem>>[vector<16xi32>], vector<16xf32>,
          %parallel_loop3A_239 = arith.addi %parallel_loop3A_224, %broadcast_in_dim3A_78 : vector<16xi32>
          %parallel_loop3A_240 = tpu.vector_load_idx %arg5[%parallel_loop3A_239] : memref<1024xf32, #tpu.memory_space<vmem>>[vector<16xi32>], vector<16xf32>,
          %parallel_loop3A_241 = arith.addi %parallel_loop3A_224, %broadcast_in_dim3A_83 : vector<16xi32>
          %parallel_loop3A_242 = tpu.vector_load_idx %arg5[%parallel_loop3A_241] : memref<1024xf32, #tpu.memory_space<vmem>>[vector<16xi32>], vector<16xf32>,
          %parallel_loop3A_243 = arith.addi %parallel_loop3A_224, %broadcast_in_dim3A_88 : vector<16xi32>
          %parallel_loop3A_244 = tpu.vector_load_idx %arg5[%parallel_loop3A_243] : memref<1024xf32, #tpu.memory_space<vmem>>[vector<16xi32>], vector<16xf32>,
          %parallel_loop3A_245 = arith.addi %parallel_loop3A_224, %broadcast_in_dim3A_93 : vector<16xi32>
          %parallel_loop3A_246 = tpu.vector_load_idx %arg5[%parallel_loop3A_245] : memref<1024xf32, #tpu.memory_space<vmem>>[vector<16xi32>], vector<16xf32>,
          %parallel_loop3A_247 = arith.addi %parallel_loop3A_224, %broadcast_in_dim3A_98 : vector<16xi32>
          %parallel_loop3A_248 = tpu.vector_load_idx %arg5[%parallel_loop3A_247] : memref<1024xf32, #tpu.memory_space<vmem>>[vector<16xi32>], vector<16xf32>,
          %parallel_loop3A_249 = arith.addi %parallel_loop3A_224, %broadcast_in_dim3A_103 : vector<16xi32>
          %parallel_loop3A_250 = tpu.vector_load_idx %arg5[%parallel_loop3A_249] : memref<1024xf32, #tpu.memory_space<vmem>>[vector<16xi32>], vector<16xf32>,
          %parallel_loop3A_251 = arith.addi %parallel_loop3A_224, %broadcast_in_dim3A_108 : vector<16xi32>
          %parallel_loop3A_252 = tpu.vector_load_idx %arg5[%parallel_loop3A_251] : memref<1024xf32, #tpu.memory_space<vmem>>[vector<16xi32>], vector<16xf32>,
          %parallel_loop3A_253 = arith.addi %parallel_loop3A_224, %broadcast_in_dim3A_113 : vector<16xi32>
          %parallel_loop3A_254 = tpu.vector_load_idx %arg5[%parallel_loop3A_253] : memref<1024xf32, #tpu.memory_space<vmem>>[vector<16xi32>], vector<16xf32>,
          %parallel_loop3A_255 = arith.addi %parallel_loop3A_224, %broadcast_in_dim3A_118 : vector<16xi32>
          %parallel_loop3A_256 = tpu.vector_load_idx %arg5[%parallel_loop3A_255] : memref<1024xf32, #tpu.memory_space<vmem>>[vector<16xi32>], vector<16xf32>,
          %parallel_loop3A_257 = arith.constant 0 : i32
          %parallel_loop3A_258 = arith.index_cast %parallel_loop3A_257 : i32 to index
          %parallel_loop3A_259 = arith.index_cast %add3A_218 : i32 to index
          %parallel_loop3A_260 = arith.index_cast %parallel_loop3A_221 : i32 to index
          %parallel_loop3A_261 = tpu.vector_load %arg8[%parallel_loop3A_258, %parallel_loop3A_259, %parallel_loop3A_260] {strides = array<i32>} : memref<16x8x256xf32, #tpu.memory_space<vmem>>, vector<16xf32>,
          tpu.vector_store %arg8[%parallel_loop3A_258, %parallel_loop3A_259, %parallel_loop3A_260], %parallel_loop3A_226 {strides = array<i32>} : memref<16x8x256xf32, #tpu.memory_space<vmem>>, vector<16xf32>,
          %parallel_loop3A_262 = arith.constant 1 : i32
          %parallel_loop3A_263 = arith.index_cast %parallel_loop3A_262 : i32 to index
          %parallel_loop3A_264 = arith.index_cast %add3A_218 : i32 to index
          %parallel_loop3A_265 = arith.index_cast %parallel_loop3A_221 : i32 to index
          %parallel_loop3A_266 = tpu.vector_load %arg8[%parallel_loop3A_263, %parallel_loop3A_264, %parallel_loop3A_265] {strides = array<i32>} : memref<16x8x256xf32, #tpu.memory_space<vmem>>, vector<16xf32>,
          tpu.vector_store %arg8[%parallel_loop3A_263, %parallel_loop3A_264, %parallel_loop3A_265], %parallel_loop3A_228 {strides = array<i32>} : memref<16x8x256xf32, #tpu.memory_space<vmem>>, vector<16xf32>,
          %parallel_loop3A_267 = arith.constant 2 : i32
          %parallel_loop3A_268 = arith.index_cast %parallel_loop3A_267 : i32 to index
          %parallel_loop3A_269 = arith.index_cast %add3A_218 : i32 to index
          %parallel_loop3A_270 = arith.index_cast %parallel_loop3A_221 : i32 to index
          %parallel_loop3A_271 = tpu.vector_load %arg8[%parallel_loop3A_268, %parallel_loop3A_269, %parallel_loop3A_270] {strides = array<i32>} : memref<16x8x256xf32, #tpu.memory_space<vmem>>, vector<16xf32>,
          tpu.vector_store %arg8[%parallel_loop3A_268, %parallel_loop3A_269, %parallel_loop3A_270], %parallel_loop3A_230 {strides = array<i32>} : memref<16x8x256xf32, #tpu.memory_space<vmem>>, vector<16xf32>,
          %parallel_loop3A_272 = arith.constant 3 : i32
          %parallel_loop3A_273 = arith.index_cast %parallel_loop3A_272 : i32 to index
          %parallel_loop3A_274 = arith.index_cast %add3A_218 : i32 to index
          %parallel_loop3A_275 = arith.index_cast %parallel_loop3A_221 : i32 to index
          %parallel_loop3A_276 = tpu.vector_load %arg8[%parallel_loop3A_273, %parallel_loop3A_274, %parallel_loop3A_275] {strides = array<i32>} : memref<16x8x256xf32, #tpu.memory_space<vmem>>, vector<16xf32>,
          tpu.vector_store %arg8[%parallel_loop3A_273, %parallel_loop3A_274, %parallel_loop3A_275], %parallel_loop3A_232 {strides = array<i32>} : memref<16x8x256xf32, #tpu.memory_space<vmem>>, vector<16xf32>,
          %parallel_loop3A_277 = arith.constant 4 : i32
          %parallel_loop3A_278 = arith.index_cast %parallel_loop3A_277 : i32 to index
          %parallel_loop3A_279 = arith.index_cast %add3A_218 : i32 to index
          %parallel_loop3A_280 = arith.index_cast %parallel_loop3A_221 : i32 to index
          %parallel_loop3A_281 = tpu.vector_load %arg8[%parallel_loop3A_278, %parallel_loop3A_279, %parallel_loop3A_280] {strides = array<i32>} : memref<16x8x256xf32, #tpu.memory_space<vmem>>, vector<16xf32>,
          tpu.vector_store %arg8[%parallel_loop3A_278, %parallel_loop3A_279, %parallel_loop3A_280], %parallel_loop3A_234 {strides = array<i32>} : memref<16x8x256xf32, #tpu.memory_space<vmem>>, vector<16xf32>,
          %parallel_loop3A_282 = arith.constant 5 : i32
          %parallel_loop3A_283 = arith.index_cast %parallel_loop3A_282 : i32 to index
          %parallel_loop3A_284 = arith.index_cast %add3A_218 : i32 to index
          %parallel_loop3A_285 = arith.index_cast %parallel_loop3A_221 : i32 to index
          %parallel_loop3A_286 = tpu.vector_load %arg8[%parallel_loop3A_283, %parallel_loop3A_284, %parallel_loop3A_285] {strides = array<i32>} : memref<16x8x256xf32, #tpu.memory_space<vmem>>, vector<16xf32>,
          tpu.vector_store %arg8[%parallel_loop3A_283, %parallel_loop3A_284, %parallel_loop3A_285], %parallel_loop3A_236 {strides = array<i32>} : memref<16x8x256xf32, #tpu.memory_space<vmem>>, vector<16xf32>,
          %parallel_loop3A_287 = arith.constant 6 : i32
          %parallel_loop3A_288 = arith.index_cast %parallel_loop3A_287 : i32 to index
          %parallel_loop3A_289 = arith.index_cast %add3A_218 : i32 to index
          %parallel_loop3A_290 = arith.index_cast %parallel_loop3A_221 : i32 to index
          %parallel_loop3A_291 = tpu.vector_load %arg8[%parallel_loop3A_288, %parallel_loop3A_289, %parallel_loop3A_290] {strides = array<i32>} : memref<16x8x256xf32, #tpu.memory_space<vmem>>, vector<16xf32>,
          tpu.vector_store %arg8[%parallel_loop3A_288, %parallel_loop3A_289, %parallel_loop3A_290], %parallel_loop3A_238 {strides = array<i32>} : memref<16x8x256xf32, #tpu.memory_space<vmem>>, vector<16xf32>,
          %parallel_loop3A_292 = arith.constant 7 : i32
          %parallel_loop3A_293 = arith.index_cast %parallel_loop3A_292 : i32 to index
          %parallel_loop3A_294 = arith.index_cast %add3A_218 : i32 to index
          %parallel_loop3A_295 = arith.index_cast %parallel_loop3A_221 : i32 to index
          %parallel_loop3A_296 = tpu.vector_load %arg8[%parallel_loop3A_293, %parallel_loop3A_294, %parallel_loop3A_295] {strides = array<i32>} : memref<16x8x256xf32, #tpu.memory_space<vmem>>, vector<16xf32>,
          tpu.vector_store %arg8[%parallel_loop3A_293, %parallel_loop3A_294, %parallel_loop3A_295], %parallel_loop3A_240 {strides = array<i32>} : memref<16x8x256xf32, #tpu.memory_space<vmem>>, vector<16xf32>,
          %parallel_loop3A_297 = arith.constant 8 : i32
          %parallel_loop3A_298 = arith.index_cast %parallel_loop3A_297 : i32 to index
          %parallel_loop3A_299 = arith.index_cast %add3A_218 : i32 to index
          %parallel_loop3A_300 = arith.index_cast %parallel_loop3A_221 : i32 to index
          %parallel_loop3A_301 = tpu.vector_load %arg8[%parallel_loop3A_298, %parallel_loop3A_299, %parallel_loop3A_300] {strides = array<i32>} : memref<16x8x256xf32, #tpu.memory_space<vmem>>, vector<16xf32>,
          tpu.vector_store %arg8[%parallel_loop3A_298, %parallel_loop3A_299, %parallel_loop3A_300], %parallel_loop3A_242 {strides = array<i32>} : memref<16x8x256xf32, #tpu.memory_space<vmem>>, vector<16xf32>,
          %parallel_loop3A_302 = arith.constant 9 : i32
          %parallel_loop3A_303 = arith.index_cast %parallel_loop3A_302 : i32 to index
          %parallel_loop3A_304 = arith.index_cast %add3A_218 : i32 to index
          %parallel_loop3A_305 = arith.index_cast %parallel_loop3A_221 : i32 to index
          %parallel_loop3A_306 = tpu.vector_load %arg8[%parallel_loop3A_303, %parallel_loop3A_304, %parallel_loop3A_305] {strides = array<i32>} : memref<16x8x256xf32, #tpu.memory_space<vmem>>, vector<16xf32>,
          tpu.vector_store %arg8[%parallel_loop3A_303, %parallel_loop3A_304, %parallel_loop3A_305], %parallel_loop3A_244 {strides = array<i32>} : memref<16x8x256xf32, #tpu.memory_space<vmem>>, vector<16xf32>,
          %parallel_loop3A_307 = arith.constant 10 : i32
          %parallel_loop3A_308 = arith.index_cast %parallel_loop3A_307 : i32 to index
          %parallel_loop3A_309 = arith.index_cast %add3A_218 : i32 to index
          %parallel_loop3A_310 = arith.index_cast %parallel_loop3A_221 : i32 to index
          %parallel_loop3A_311 = tpu.vector_load %arg8[%parallel_loop3A_308, %parallel_loop3A_309, %parallel_loop3A_310] {strides = array<i32>} : memref<16x8x256xf32, #tpu.memory_space<vmem>>, vector<16xf32>,
          tpu.vector_store %arg8[%parallel_loop3A_308, %parallel_loop3A_309, %parallel_loop3A_310], %parallel_loop3A_246 {strides = array<i32>} : memref<16x8x256xf32, #tpu.memory_space<vmem>>, vector<16xf32>,
          %parallel_loop3A_312 = arith.constant 11 : i32
          %parallel_loop3A_313 = arith.index_cast %parallel_loop3A_312 : i32 to index
          %parallel_loop3A_314 = arith.index_cast %add3A_218 : i32 to index
          %parallel_loop3A_315 = arith.index_cast %parallel_loop3A_221 : i32 to index
          %parallel_loop3A_316 = tpu.vector_load %arg8[%parallel_loop3A_313, %parallel_loop3A_314, %parallel_loop3A_315] {strides = array<i32>} : memref<16x8x256xf32, #tpu.memory_space<vmem>>, vector<16xf32>,
          tpu.vector_store %arg8[%parallel_loop3A_313, %parallel_loop3A_314, %parallel_loop3A_315], %parallel_loop3A_248 {strides = array<i32>} : memref<16x8x256xf32, #tpu.memory_space<vmem>>, vector<16xf32>,
          %parallel_loop3A_317 = arith.constant 12 : i32
          %parallel_loop3A_318 = arith.index_cast %parallel_loop3A_317 : i32 to index
          %parallel_loop3A_319 = arith.index_cast %add3A_218 : i32 to index
          %parallel_loop3A_320 = arith.index_cast %parallel_loop3A_221 : i32 to index
          %parallel_loop3A_321 = tpu.vector_load %arg8[%parallel_loop3A_318, %parallel_loop3A_319, %parallel_loop3A_320] {strides = array<i32>} : memref<16x8x256xf32, #tpu.memory_space<vmem>>, vector<16xf32>,
          tpu.vector_store %arg8[%parallel_loop3A_318, %parallel_loop3A_319, %parallel_loop3A_320], %parallel_loop3A_250 {strides = array<i32>} : memref<16x8x256xf32, #tpu.memory_space<vmem>>, vector<16xf32>,
          %parallel_loop3A_322 = arith.constant 13 : i32
          %parallel_loop3A_323 = arith.index_cast %parallel_loop3A_322 : i32 to index
          %parallel_loop3A_324 = arith.index_cast %add3A_218 : i32 to index
          %parallel_loop3A_325 = arith.index_cast %parallel_loop3A_221 : i32 to index
          %parallel_loop3A_326 = tpu.vector_load %arg8[%parallel_loop3A_323, %parallel_loop3A_324, %parallel_loop3A_325] {strides = array<i32>} : memref<16x8x256xf32, #tpu.memory_space<vmem>>, vector<16xf32>,
          tpu.vector_store %arg8[%parallel_loop3A_323, %parallel_loop3A_324, %parallel_loop3A_325], %parallel_loop3A_252 {strides = array<i32>} : memref<16x8x256xf32, #tpu.memory_space<vmem>>, vector<16xf32>,
          %parallel_loop3A_327 = arith.constant 14 : i32
          %parallel_loop3A_328 = arith.index_cast %parallel_loop3A_327 : i32 to index
          %parallel_loop3A_329 = arith.index_cast %add3A_218 : i32 to index
          %parallel_loop3A_330 = arith.index_cast %parallel_loop3A_221 : i32 to index
          %parallel_loop3A_331 = tpu.vector_load %arg8[%parallel_loop3A_328, %parallel_loop3A_329, %parallel_loop3A_330] {strides = array<i32>} : memref<16x8x256xf32, #tpu.memory_space<vmem>>, vector<16xf32>,
          tpu.vector_store %arg8[%parallel_loop3A_328, %parallel_loop3A_329, %parallel_loop3A_330], %parallel_loop3A_254 {strides = array<i32>} : memref<16x8x256xf32, #tpu.memory_space<vmem>>, vector<16xf32>,
          %parallel_loop3A_332 = arith.constant 15 : i32
          %parallel_loop3A_333 = arith.index_cast %parallel_loop3A_332 : i32 to index
          %parallel_loop3A_334 = arith.index_cast %add3A_218 : i32 to index
          %parallel_loop3A_335 = arith.index_cast %parallel_loop3A_221 : i32 to index
          %parallel_loop3A_336 = tpu.vector_load %arg8[%parallel_loop3A_333, %parallel_loop3A_334, %parallel_loop3A_335] {strides = array<i32>} : memref<16x8x256xf32, #tpu.memory_space<vmem>>, vector<16xf32>,
          tpu.vector_store %arg8[%parallel_loop3A_333, %parallel_loop3A_334, %parallel_loop3A_335], %parallel_loop3A_256 {strides = array<i32>} : memref<16x8x256xf32, #tpu.memory_space<vmem>>, vector<16xf32>,
        } {sc.loop_unroll_factor = 1 : i64, sc.parallel_access}
      }
      %scan3A_168 = arith.constant 8 : i32
      %mul3A_169 = arith.constant 8 : i32
      %mul3A_170 = arith.muli %add3A_146, %mul3A_169 : i32
      %dma_start3A_171 = arith.constant 0 : i32
      %dma_start3A_172 = tpu.memref_slice %arg4[%select_n3A, %mul3A_32, %mul3A_170, %dma_start3A_171] : memref<16x32x256x256xf32, #tpu.memory_space<hbm>> -> memref<1x16x8x256xf32, #tpu.memory_space<hbm>>
      %dma_start3A_173 = tpu.memref_squeeze %dma_start3A_172 : memref<1x16x8x256xf32, #tpu.memory_space<hbm>> -> memref<16x8x256xf32, #tpu.memory_space<hbm>>
      %dma_start3A_174 = arith.constant 0 : i32
      %dma_start3A_175 = tpu.memref_slice %arg4[%select_n3A, %mul3A_32, %mul3A_170, %dma_start3A_174] : memref<16x32x256x256xf32, #tpu.memory_space<hbm>> -> memref<1x16x8x256xf32, #tpu.memory_space<hbm>>
      %dma_start3A_176 = tpu.memref_squeeze %dma_start3A_175 : memref<1x16x8x256xf32, #tpu.memory_space<hbm>> -> memref<16x8x256xf32, #tpu.memory_space<hbm>>
      tpu.enqueue_dma source(%arg8 : memref<16x8x256xf32, #tpu.memory_space<vmem>>) target(%dma_start3A_176 : memref<16x8x256xf32, #tpu.memory_space<hbm>>) target_semaphore(%arg13 : memref<!tpu.dma_semaphore, #tpu.memory_space<semaphore_mem>>)
      %mul3A_177 = arith.constant 2 : i32
      %mul3A_178 = arith.muli %mul3A_177, %add3A_142 : i32
      %add3A_179 = arith.constant 1 : i32
      %add3A_180 = arith.addi %mul3A_178, %add3A_179 : i32
      %dma_wait3A_181 = arith.constant 0 : i32
      %dma_wait3A_182 = arith.constant 0 : i32
      %dma_wait3A_183 = tpu.memref_slice %arg2[%select_n3A, %dma_wait3A_181, %dma_wait3A_182] : memref<16x256x256xi32, #tpu.memory_space<hbm>> -> memref<1x8x256xi32, #tpu.memory_space<hbm>>
      %dma_wait3A_184 = tpu.memref_squeeze %dma_wait3A_183 : memref<1x8x256xi32, #tpu.memory_space<hbm>> -> memref<8x256xi32, #tpu.memory_space<hbm>>
      %dma_wait3A_185 = arith.constant 0 : i32
      %dma_wait3A_186 = arith.constant 0 : i32
      %dma_wait3A_187 = tpu.memref_slice %arg2[%select_n3A, %dma_wait3A_185, %dma_wait3A_186] : memref<16x256x256xi32, #tpu.memory_space<hbm>> -> memref<1x8x256xi32, #tpu.memory_space<hbm>>
      %dma_wait3A_188 = tpu.memref_squeeze %dma_wait3A_187 : memref<1x8x256xi32, #tpu.memory_space<hbm>> -> memref<8x256xi32, #tpu.memory_space<hbm>>
      tpu.wait_dma2 semaphore(%arg12 : memref<!tpu.dma_semaphore, #tpu.memory_space<semaphore_mem>>) src(%dma_wait3A_188 : memref<8x256xi32, #tpu.memory_space<hbm>>) dst(%arg7 : memref<8x256xi32, #tpu.memory_space<vmem>>)
      %add3A_189 = arith.constant 1 : i32
      %add3A_190 = arith.addi %add3A_180, %add3A_189 : i32
      %lt3A_191 = arith.constant 32 : i32
      %lt3A_192 = arith.cmpi slt, %add3A_190, %lt3A_191 : i32
      %convert_element_type3A_193 = arith.extui %lt3A_192 : i1 to i32
      %cond3A_194 = arith.constant 0 : i32
      %cond3A_195 = arith.cmpi ne, %convert_element_type3A_193, %cond3A_194 : i32
      scf.if %cond3A_195 {
        %add3A_214 = arith.constant 1 : i32
        %add3A_215 = arith.addi %add3A_180, %add3A_214 : i32
        %mul3A_216 = arith.constant 8 : i32
        %mul3A_217 = arith.muli %add3A_215, %mul3A_216 : i32
        %dma_start3A_218 = arith.constant 0 : i32
        %dma_start3A_219 = tpu.memref_slice %arg2[%select_n3A, %mul3A_217, %dma_start3A_218] : memref<16x256x256xi32, #tpu.memory_space<hbm>> -> memref<1x8x256xi32, #tpu.memory_space<hbm>>
        %dma_start3A_220 = tpu.memref_squeeze %dma_start3A_219 : memref<1x8x256xi32, #tpu.memory_space<hbm>> -> memref<8x256xi32, #tpu.memory_space<hbm>>
        %dma_start3A_221 = arith.constant 0 : i32
        %dma_start3A_222 = tpu.memref_slice %arg2[%select_n3A, %mul3A_217, %dma_start3A_221] : memref<16x256x256xi32, #tpu.memory_space<hbm>> -> memref<1x8x256xi32, #tpu.memory_space<hbm>>
        %dma_start3A_223 = tpu.memref_squeeze %dma_start3A_222 : memref<1x8x256xi32, #tpu.memory_space<hbm>> -> memref<8x256xi32, #tpu.memory_space<hbm>>
        tpu.enqueue_dma source(%dma_start3A_223 : memref<8x256xi32, #tpu.memory_space<hbm>>) target(%arg6 : memref<8x256xi32, #tpu.memory_space<vmem>>) target_semaphore(%arg11 : memref<!tpu.dma_semaphore, #tpu.memory_space<semaphore_mem>>)
      } else {
      }
      %ge3A_196 = arith.constant 2 : i32
      %ge3A_197 = arith.cmpi sge, %add3A_180, %ge3A_196 : i32
      %convert_element_type3A_198 = arith.extui %ge3A_197 : i1 to i32
      %cond3A_199 = arith.constant 0 : i32
      %cond3A_200 = arith.cmpi ne, %convert_element_type3A_198, %cond3A_199 : i32
      scf.if %cond3A_200 {
        %dma_wait3A_214 = arith.constant 0 : i32
        %dma_wait3A_215 = arith.constant 0 : i32
        %dma_wait3A_216 = tpu.memref_slice %arg4[%select_n3A, %mul3A_32, %dma_wait3A_214, %dma_wait3A_215] : memref<16x32x256x256xf32, #tpu.memory_space<hbm>> -> memref<1x16x8x256xf32, #tpu.memory_space<hbm>>
        %dma_wait3A_217 = tpu.memref_squeeze %dma_wait3A_216 : memref<1x16x8x256xf32, #tpu.memory_space<hbm>> -> memref<16x8x256xf32, #tpu.memory_space<hbm>>
        %dma_wait3A_218 = arith.constant 0 : i32
        %dma_wait3A_219 = arith.constant 0 : i32
        %dma_wait3A_220 = tpu.memref_slice %arg4[%select_n3A, %mul3A_32, %dma_wait3A_218, %dma_wait3A_219] : memref<16x32x256x256xf32, #tpu.memory_space<hbm>> -> memref<1x16x8x256xf32, #tpu.memory_space<hbm>>
        %dma_wait3A_221 = tpu.memref_squeeze %dma_wait3A_220 : memref<1x16x8x256xf32, #tpu.memory_space<hbm>> -> memref<16x8x256xf32, #tpu.memory_space<hbm>>
        tpu.wait_dma2 semaphore(%arg14 : memref<!tpu.dma_semaphore, #tpu.memory_space<semaphore_mem>>) src(%arg9 : memref<16x8x256xf32, #tpu.memory_space<vmem>>) dst(%dma_wait3A_221 : memref<16x8x256xf32, #tpu.memory_space<hbm>>)
      } else {
      }
      %scan3A_201 = arith.constant 0 : i32
      %scan3A_202 = arith.constant 8 : i32
      %scan3A_203 = arith.addi %scan3A_201, %scan3A_202 : i32
      %scan3A_204 = arith.constant 1 : i32
      scf.for %scan3A_214 = %scan3A_201 to %scan3A_203 step %scan3A_204  : i32 {
        %mul3A_215 = arith.constant 1 : i32
        %mul3A_216 = arith.muli %scan3A_214, %mul3A_215 : i32
        %add3A_217 = arith.constant 0 : i32
        %add3A_218 = arith.addi %add3A_217, %mul3A_216 : i32
        %parallel_loop3A = arith.constant 0 : i32
        %parallel_loop3A_219 = arith.constant 256 : i32
        %parallel_loop3A_220 = arith.constant 16 : i32
        scf.for %parallel_loop3A_221 = %parallel_loop3A to %parallel_loop3A_219 step %parallel_loop3A_220  : i32 {
          %parallel_loop3A_222 = arith.index_cast %add3A_218 : i32 to index
          %parallel_loop3A_223 = arith.index_cast %parallel_loop3A_221 : i32 to index
          %parallel_loop3A_224 = tpu.vector_load %arg7[%parallel_loop3A_222, %parallel_loop3A_223] {strides = array<i32>} : memref<8x256xi32, #tpu.memory_space<vmem>>, vector<16xi32>,
          %parallel_loop3A_225 = arith.addi %parallel_loop3A_224, %broadcast_in_dim3A : vector<16xi32>
          %parallel_loop3A_226 = tpu.vector_load_idx %arg5[%parallel_loop3A_225] : memref<1024xf32, #tpu.memory_space<vmem>>[vector<16xi32>], vector<16xf32>,
          %parallel_loop3A_227 = arith.addi %parallel_loop3A_224, %broadcast_in_dim3A_48 : vector<16xi32>
          %parallel_loop3A_228 = tpu.vector_load_idx %arg5[%parallel_loop3A_227] : memref<1024xf32, #tpu.memory_space<vmem>>[vector<16xi32>], vector<16xf32>,
          %parallel_loop3A_229 = arith.addi %parallel_loop3A_224, %broadcast_in_dim3A_53 : vector<16xi32>
          %parallel_loop3A_230 = tpu.vector_load_idx %arg5[%parallel_loop3A_229] : memref<1024xf32, #tpu.memory_space<vmem>>[vector<16xi32>], vector<16xf32>,
          %parallel_loop3A_231 = arith.addi %parallel_loop3A_224, %broadcast_in_dim3A_58 : vector<16xi32>
          %parallel_loop3A_232 = tpu.vector_load_idx %arg5[%parallel_loop3A_231] : memref<1024xf32, #tpu.memory_space<vmem>>[vector<16xi32>], vector<16xf32>,
          %parallel_loop3A_233 = arith.addi %parallel_loop3A_224, %broadcast_in_dim3A_63 : vector<16xi32>
          %parallel_loop3A_234 = tpu.vector_load_idx %arg5[%parallel_loop3A_233] : memref<1024xf32, #tpu.memory_space<vmem>>[vector<16xi32>], vector<16xf32>,
          %parallel_loop3A_235 = arith.addi %parallel_loop3A_224, %broadcast_in_dim3A_68 : vector<16xi32>
          %parallel_loop3A_236 = tpu.vector_load_idx %arg5[%parallel_loop3A_235] : memref<1024xf32, #tpu.memory_space<vmem>>[vector<16xi32>], vector<16xf32>,
          %parallel_loop3A_237 = arith.addi %parallel_loop3A_224, %broadcast_in_dim3A_73 : vector<16xi32>
          %parallel_loop3A_238 = tpu.vector_load_idx %arg5[%parallel_loop3A_237] : memref<1024xf32, #tpu.memory_space<vmem>>[vector<16xi32>], vector<16xf32>,
          %parallel_loop3A_239 = arith.addi %parallel_loop3A_224, %broadcast_in_dim3A_78 : vector<16xi32>
          %parallel_loop3A_240 = tpu.vector_load_idx %arg5[%parallel_loop3A_239] : memref<1024xf32, #tpu.memory_space<vmem>>[vector<16xi32>], vector<16xf32>,
          %parallel_loop3A_241 = arith.addi %parallel_loop3A_224, %broadcast_in_dim3A_83 : vector<16xi32>
          %parallel_loop3A_242 = tpu.vector_load_idx %arg5[%parallel_loop3A_241] : memref<1024xf32, #tpu.memory_space<vmem>>[vector<16xi32>], vector<16xf32>,
          %parallel_loop3A_243 = arith.addi %parallel_loop3A_224, %broadcast_in_dim3A_88 : vector<16xi32>
          %parallel_loop3A_244 = tpu.vector_load_idx %arg5[%parallel_loop3A_243] : memref<1024xf32, #tpu.memory_space<vmem>>[vector<16xi32>], vector<16xf32>,
          %parallel_loop3A_245 = arith.addi %parallel_loop3A_224, %broadcast_in_dim3A_93 : vector<16xi32>
          %parallel_loop3A_246 = tpu.vector_load_idx %arg5[%parallel_loop3A_245] : memref<1024xf32, #tpu.memory_space<vmem>>[vector<16xi32>], vector<16xf32>,
          %parallel_loop3A_247 = arith.addi %parallel_loop3A_224, %broadcast_in_dim3A_98 : vector<16xi32>
          %parallel_loop3A_248 = tpu.vector_load_idx %arg5[%parallel_loop3A_247] : memref<1024xf32, #tpu.memory_space<vmem>>[vector<16xi32>], vector<16xf32>,
          %parallel_loop3A_249 = arith.addi %parallel_loop3A_224, %broadcast_in_dim3A_103 : vector<16xi32>
          %parallel_loop3A_250 = tpu.vector_load_idx %arg5[%parallel_loop3A_249] : memref<1024xf32, #tpu.memory_space<vmem>>[vector<16xi32>], vector<16xf32>,
          %parallel_loop3A_251 = arith.addi %parallel_loop3A_224, %broadcast_in_dim3A_108 : vector<16xi32>
          %parallel_loop3A_252 = tpu.vector_load_idx %arg5[%parallel_loop3A_251] : memref<1024xf32, #tpu.memory_space<vmem>>[vector<16xi32>], vector<16xf32>,
          %parallel_loop3A_253 = arith.addi %parallel_loop3A_224, %broadcast_in_dim3A_113 : vector<16xi32>
          %parallel_loop3A_254 = tpu.vector_load_idx %arg5[%parallel_loop3A_253] : memref<1024xf32, #tpu.memory_space<vmem>>[vector<16xi32>], vector<16xf32>,
          %parallel_loop3A_255 = arith.addi %parallel_loop3A_224, %broadcast_in_dim3A_118 : vector<16xi32>
          %parallel_loop3A_256 = tpu.vector_load_idx %arg5[%parallel_loop3A_255] : memref<1024xf32, #tpu.memory_space<vmem>>[vector<16xi32>], vector<16xf32>,
          %parallel_loop3A_257 = arith.constant 0 : i32
          %parallel_loop3A_258 = arith.index_cast %parallel_loop3A_257 : i32 to index
          %parallel_loop3A_259 = arith.index_cast %add3A_218 : i32 to index
          %parallel_loop3A_260 = arith.index_cast %parallel_loop3A_221 : i32 to index
          %parallel_loop3A_261 = tpu.vector_load %arg9[%parallel_loop3A_258, %parallel_loop3A_259, %parallel_loop3A_260] {strides = array<i32>} : memref<16x8x256xf32, #tpu.memory_space<vmem>>, vector<16xf32>,
          tpu.vector_store %arg9[%parallel_loop3A_258, %parallel_loop3A_259, %parallel_loop3A_260], %parallel_loop3A_226 {strides = array<i32>} : memref<16x8x256xf32, #tpu.memory_space<vmem>>, vector<16xf32>,
          %parallel_loop3A_262 = arith.constant 1 : i32
          %parallel_loop3A_263 = arith.index_cast %parallel_loop3A_262 : i32 to index
          %parallel_loop3A_264 = arith.index_cast %add3A_218 : i32 to index
          %parallel_loop3A_265 = arith.index_cast %parallel_loop3A_221 : i32 to index
          %parallel_loop3A_266 = tpu.vector_load %arg9[%parallel_loop3A_263, %parallel_loop3A_264, %parallel_loop3A_265] {strides = array<i32>} : memref<16x8x256xf32, #tpu.memory_space<vmem>>, vector<16xf32>,
          tpu.vector_store %arg9[%parallel_loop3A_263, %parallel_loop3A_264, %parallel_loop3A_265], %parallel_loop3A_228 {strides = array<i32>} : memref<16x8x256xf32, #tpu.memory_space<vmem>>, vector<16xf32>,
          %parallel_loop3A_267 = arith.constant 2 : i32
          %parallel_loop3A_268 = arith.index_cast %parallel_loop3A_267 : i32 to index
          %parallel_loop3A_269 = arith.index_cast %add3A_218 : i32 to index
          %parallel_loop3A_270 = arith.index_cast %parallel_loop3A_221 : i32 to index
          %parallel_loop3A_271 = tpu.vector_load %arg9[%parallel_loop3A_268, %parallel_loop3A_269, %parallel_loop3A_270] {strides = array<i32>} : memref<16x8x256xf32, #tpu.memory_space<vmem>>, vector<16xf32>,
          tpu.vector_store %arg9[%parallel_loop3A_268, %parallel_loop3A_269, %parallel_loop3A_270], %parallel_loop3A_230 {strides = array<i32>} : memref<16x8x256xf32, #tpu.memory_space<vmem>>, vector<16xf32>,
          %parallel_loop3A_272 = arith.constant 3 : i32
          %parallel_loop3A_273 = arith.index_cast %parallel_loop3A_272 : i32 to index
          %parallel_loop3A_274 = arith.index_cast %add3A_218 : i32 to index
          %parallel_loop3A_275 = arith.index_cast %parallel_loop3A_221 : i32 to index
          %parallel_loop3A_276 = tpu.vector_load %arg9[%parallel_loop3A_273, %parallel_loop3A_274, %parallel_loop3A_275] {strides = array<i32>} : memref<16x8x256xf32, #tpu.memory_space<vmem>>, vector<16xf32>,
          tpu.vector_store %arg9[%parallel_loop3A_273, %parallel_loop3A_274, %parallel_loop3A_275], %parallel_loop3A_232 {strides = array<i32>} : memref<16x8x256xf32, #tpu.memory_space<vmem>>, vector<16xf32>,
          %parallel_loop3A_277 = arith.constant 4 : i32
          %parallel_loop3A_278 = arith.index_cast %parallel_loop3A_277 : i32 to index
          %parallel_loop3A_279 = arith.index_cast %add3A_218 : i32 to index
          %parallel_loop3A_280 = arith.index_cast %parallel_loop3A_221 : i32 to index
          %parallel_loop3A_281 = tpu.vector_load %arg9[%parallel_loop3A_278, %parallel_loop3A_279, %parallel_loop3A_280] {strides = array<i32>} : memref<16x8x256xf32, #tpu.memory_space<vmem>>, vector<16xf32>,
          tpu.vector_store %arg9[%parallel_loop3A_278, %parallel_loop3A_279, %parallel_loop3A_280], %parallel_loop3A_234 {strides = array<i32>} : memref<16x8x256xf32, #tpu.memory_space<vmem>>, vector<16xf32>,
          %parallel_loop3A_282 = arith.constant 5 : i32
          %parallel_loop3A_283 = arith.index_cast %parallel_loop3A_282 : i32 to index
          %parallel_loop3A_284 = arith.index_cast %add3A_218 : i32 to index
          %parallel_loop3A_285 = arith.index_cast %parallel_loop3A_221 : i32 to index
          %parallel_loop3A_286 = tpu.vector_load %arg9[%parallel_loop3A_283, %parallel_loop3A_284, %parallel_loop3A_285] {strides = array<i32>} : memref<16x8x256xf32, #tpu.memory_space<vmem>>, vector<16xf32>,
          tpu.vector_store %arg9[%parallel_loop3A_283, %parallel_loop3A_284, %parallel_loop3A_285], %parallel_loop3A_236 {strides = array<i32>} : memref<16x8x256xf32, #tpu.memory_space<vmem>>, vector<16xf32>,
          %parallel_loop3A_287 = arith.constant 6 : i32
          %parallel_loop3A_288 = arith.index_cast %parallel_loop3A_287 : i32 to index
          %parallel_loop3A_289 = arith.index_cast %add3A_218 : i32 to index
          %parallel_loop3A_290 = arith.index_cast %parallel_loop3A_221 : i32 to index
          %parallel_loop3A_291 = tpu.vector_load %arg9[%parallel_loop3A_288, %parallel_loop3A_289, %parallel_loop3A_290] {strides = array<i32>} : memref<16x8x256xf32, #tpu.memory_space<vmem>>, vector<16xf32>,
          tpu.vector_store %arg9[%parallel_loop3A_288, %parallel_loop3A_289, %parallel_loop3A_290], %parallel_loop3A_238 {strides = array<i32>} : memref<16x8x256xf32, #tpu.memory_space<vmem>>, vector<16xf32>,
          %parallel_loop3A_292 = arith.constant 7 : i32
          %parallel_loop3A_293 = arith.index_cast %parallel_loop3A_292 : i32 to index
          %parallel_loop3A_294 = arith.index_cast %add3A_218 : i32 to index
          %parallel_loop3A_295 = arith.index_cast %parallel_loop3A_221 : i32 to index
          %parallel_loop3A_296 = tpu.vector_load %arg9[%parallel_loop3A_293, %parallel_loop3A_294, %parallel_loop3A_295] {strides = array<i32>} : memref<16x8x256xf32, #tpu.memory_space<vmem>>, vector<16xf32>,
          tpu.vector_store %arg9[%parallel_loop3A_293, %parallel_loop3A_294, %parallel_loop3A_295], %parallel_loop3A_240 {strides = array<i32>} : memref<16x8x256xf32, #tpu.memory_space<vmem>>, vector<16xf32>,
          %parallel_loop3A_297 = arith.constant 8 : i32
          %parallel_loop3A_298 = arith.index_cast %parallel_loop3A_297 : i32 to index
          %parallel_loop3A_299 = arith.index_cast %add3A_218 : i32 to index
          %parallel_loop3A_300 = arith.index_cast %parallel_loop3A_221 : i32 to index
          %parallel_loop3A_301 = tpu.vector_load %arg9[%parallel_loop3A_298, %parallel_loop3A_299, %parallel_loop3A_300] {strides = array<i32>} : memref<16x8x256xf32, #tpu.memory_space<vmem>>, vector<16xf32>,
          tpu.vector_store %arg9[%parallel_loop3A_298, %parallel_loop3A_299, %parallel_loop3A_300], %parallel_loop3A_242 {strides = array<i32>} : memref<16x8x256xf32, #tpu.memory_space<vmem>>, vector<16xf32>,
          %parallel_loop3A_302 = arith.constant 9 : i32
          %parallel_loop3A_303 = arith.index_cast %parallel_loop3A_302 : i32 to index
          %parallel_loop3A_304 = arith.index_cast %add3A_218 : i32 to index
          %parallel_loop3A_305 = arith.index_cast %parallel_loop3A_221 : i32 to index
          %parallel_loop3A_306 = tpu.vector_load %arg9[%parallel_loop3A_303, %parallel_loop3A_304, %parallel_loop3A_305] {strides = array<i32>} : memref<16x8x256xf32, #tpu.memory_space<vmem>>, vector<16xf32>,
          tpu.vector_store %arg9[%parallel_loop3A_303, %parallel_loop3A_304, %parallel_loop3A_305], %parallel_loop3A_244 {strides = array<i32>} : memref<16x8x256xf32, #tpu.memory_space<vmem>>, vector<16xf32>,
          %parallel_loop3A_307 = arith.constant 10 : i32
          %parallel_loop3A_308 = arith.index_cast %parallel_loop3A_307 : i32 to index
          %parallel_loop3A_309 = arith.index_cast %add3A_218 : i32 to index
          %parallel_loop3A_310 = arith.index_cast %parallel_loop3A_221 : i32 to index
          %parallel_loop3A_311 = tpu.vector_load %arg9[%parallel_loop3A_308, %parallel_loop3A_309, %parallel_loop3A_310] {strides = array<i32>} : memref<16x8x256xf32, #tpu.memory_space<vmem>>, vector<16xf32>,
          tpu.vector_store %arg9[%parallel_loop3A_308, %parallel_loop3A_309, %parallel_loop3A_310], %parallel_loop3A_246 {strides = array<i32>} : memref<16x8x256xf32, #tpu.memory_space<vmem>>, vector<16xf32>,
          %parallel_loop3A_312 = arith.constant 11 : i32
          %parallel_loop3A_313 = arith.index_cast %parallel_loop3A_312 : i32 to index
          %parallel_loop3A_314 = arith.index_cast %add3A_218 : i32 to index
          %parallel_loop3A_315 = arith.index_cast %parallel_loop3A_221 : i32 to index
          %parallel_loop3A_316 = tpu.vector_load %arg9[%parallel_loop3A_313, %parallel_loop3A_314, %parallel_loop3A_315] {strides = array<i32>} : memref<16x8x256xf32, #tpu.memory_space<vmem>>, vector<16xf32>,
          tpu.vector_store %arg9[%parallel_loop3A_313, %parallel_loop3A_314, %parallel_loop3A_315], %parallel_loop3A_248 {strides = array<i32>} : memref<16x8x256xf32, #tpu.memory_space<vmem>>, vector<16xf32>,
          %parallel_loop3A_317 = arith.constant 12 : i32
          %parallel_loop3A_318 = arith.index_cast %parallel_loop3A_317 : i32 to index
          %parallel_loop3A_319 = arith.index_cast %add3A_218 : i32 to index
          %parallel_loop3A_320 = arith.index_cast %parallel_loop3A_221 : i32 to index
          %parallel_loop3A_321 = tpu.vector_load %arg9[%parallel_loop3A_318, %parallel_loop3A_319, %parallel_loop3A_320] {strides = array<i32>} : memref<16x8x256xf32, #tpu.memory_space<vmem>>, vector<16xf32>,
          tpu.vector_store %arg9[%parallel_loop3A_318, %parallel_loop3A_319, %parallel_loop3A_320], %parallel_loop3A_250 {strides = array<i32>} : memref<16x8x256xf32, #tpu.memory_space<vmem>>, vector<16xf32>,
          %parallel_loop3A_322 = arith.constant 13 : i32
          %parallel_loop3A_323 = arith.index_cast %parallel_loop3A_322 : i32 to index
          %parallel_loop3A_324 = arith.index_cast %add3A_218 : i32 to index
          %parallel_loop3A_325 = arith.index_cast %parallel_loop3A_221 : i32 to index
          %parallel_loop3A_326 = tpu.vector_load %arg9[%parallel_loop3A_323, %parallel_loop3A_324, %parallel_loop3A_325] {strides = array<i32>} : memref<16x8x256xf32, #tpu.memory_space<vmem>>, vector<16xf32>,
          tpu.vector_store %arg9[%parallel_loop3A_323, %parallel_loop3A_324, %parallel_loop3A_325], %parallel_loop3A_252 {strides = array<i32>} : memref<16x8x256xf32, #tpu.memory_space<vmem>>, vector<16xf32>,
          %parallel_loop3A_327 = arith.constant 14 : i32
          %parallel_loop3A_328 = arith.index_cast %parallel_loop3A_327 : i32 to index
          %parallel_loop3A_329 = arith.index_cast %add3A_218 : i32 to index
          %parallel_loop3A_330 = arith.index_cast %parallel_loop3A_221 : i32 to index
          %parallel_loop3A_331 = tpu.vector_load %arg9[%parallel_loop3A_328, %parallel_loop3A_329, %parallel_loop3A_330] {strides = array<i32>} : memref<16x8x256xf32, #tpu.memory_space<vmem>>, vector<16xf32>,
          tpu.vector_store %arg9[%parallel_loop3A_328, %parallel_loop3A_329, %parallel_loop3A_330], %parallel_loop3A_254 {strides = array<i32>} : memref<16x8x256xf32, #tpu.memory_space<vmem>>, vector<16xf32>,
          %parallel_loop3A_332 = arith.constant 15 : i32
          %parallel_loop3A_333 = arith.index_cast %parallel_loop3A_332 : i32 to index
          %parallel_loop3A_334 = arith.index_cast %add3A_218 : i32 to index
          %parallel_loop3A_335 = arith.index_cast %parallel_loop3A_221 : i32 to index
          %parallel_loop3A_336 = tpu.vector_load %arg9[%parallel_loop3A_333, %parallel_loop3A_334, %parallel_loop3A_335] {strides = array<i32>} : memref<16x8x256xf32, #tpu.memory_space<vmem>>, vector<16xf32>,
          tpu.vector_store %arg9[%parallel_loop3A_333, %parallel_loop3A_334, %parallel_loop3A_335], %parallel_loop3A_256 {strides = array<i32>} : memref<16x8x256xf32, #tpu.memory_space<vmem>>, vector<16xf32>,
        } {sc.loop_unroll_factor = 1 : i64, sc.parallel_access}
      }
      %scan3A_205 = arith.constant 8 : i32
      %mul3A_206 = arith.constant 8 : i32
      %mul3A_207 = arith.muli %add3A_180, %mul3A_206 : i32
      %dma_start3A_208 = arith.constant 0 : i32
      %dma_start3A_209 = tpu.memref_slice %arg4[%select_n3A, %mul3A_32, %mul3A_207, %dma_start3A_208] : memref<16x32x256x256xf32, #tpu.memory_space<hbm>> -> memref<1x16x8x256xf32, #tpu.memory_space<hbm>>
      %dma_start3A_210 = tpu.memref_squeeze %dma_start3A_209 : memref<1x16x8x256xf32, #tpu.memory_space<hbm>> -> memref<16x8x256xf32, #tpu.memory_space<hbm>>
      %dma_start3A_211 = arith.constant 0 : i32
      %dma_start3A_212 = tpu.memref_slice %arg4[%select_n3A, %mul3A_32, %mul3A_207, %dma_start3A_211] : memref<16x32x256x256xf32, #tpu.memory_space<hbm>> -> memref<1x16x8x256xf32, #tpu.memory_space<hbm>>
      %dma_start3A_213 = tpu.memref_squeeze %dma_start3A_212 : memref<1x16x8x256xf32, #tpu.memory_space<hbm>> -> memref<16x8x256xf32, #tpu.memory_space<hbm>>
      tpu.enqueue_dma source(%arg9 : memref<16x8x256xf32, #tpu.memory_space<vmem>>) target(%dma_start3A_213 : memref<16x8x256xf32, #tpu.memory_space<hbm>>) target_semaphore(%arg14 : memref<!tpu.dma_semaphore, #tpu.memory_space<semaphore_mem>>)
    }
    %scan3A_122 = arith.constant 16 : i32
    %dma_wait3A = arith.constant 0 : i32
    %dma_wait3A_123 = arith.constant 0 : i32
    %dma_wait3A_124 = tpu.memref_slice %arg4[%select_n3A, %mul3A_32, %dma_wait3A, %dma_wait3A_123] : memref<16x32x256x256xf32, #tpu.memory_space<hbm>> -> memref<1x16x8x256xf32, #tpu.memory_space<hbm>>
    %dma_wait3A_125 = tpu.memref_squeeze %dma_wait3A_124 : memref<1x16x8x256xf32, #tpu.memory_space<hbm>> -> memref<16x8x256xf32, #tpu.memory_space<hbm>>
    %dma_wait3A_126 = arith.constant 0 : i32
    %dma_wait3A_127 = arith.constant 0 : i32
    %dma_wait3A_128 = tpu.memref_slice %arg4[%select_n3A, %mul3A_32, %dma_wait3A_126, %dma_wait3A_127] : memref<16x32x256x256xf32, #tpu.memory_space<hbm>> -> memref<1x16x8x256xf32, #tpu.memory_space<hbm>>
    %dma_wait3A_129 = tpu.memref_squeeze %dma_wait3A_128 : memref<1x16x8x256xf32, #tpu.memory_space<hbm>> -> memref<16x8x256xf32, #tpu.memory_space<hbm>>
    tpu.wait_dma2 semaphore(%arg13 : memref<!tpu.dma_semaphore, #tpu.memory_space<semaphore_mem>>) src(%arg8 : memref<16x8x256xf32, #tpu.memory_space<vmem>>) dst(%dma_wait3A_129 : memref<16x8x256xf32, #tpu.memory_space<hbm>>)
    %dma_wait3A_130 = arith.constant 0 : i32
    %dma_wait3A_131 = arith.constant 0 : i32
    %dma_wait3A_132 = tpu.memref_slice %arg4[%select_n3A, %mul3A_32, %dma_wait3A_130, %dma_wait3A_131] : memref<16x32x256x256xf32, #tpu.memory_space<hbm>> -> memref<1x16x8x256xf32, #tpu.memory_space<hbm>>
    %dma_wait3A_133 = tpu.memref_squeeze %dma_wait3A_132 : memref<1x16x8x256xf32, #tpu.memory_space<hbm>> -> memref<16x8x256xf32, #tpu.memory_space<hbm>>
    %dma_wait3A_134 = arith.constant 0 : i32
    %dma_wait3A_135 = arith.constant 0 : i32
    %dma_wait3A_136 = tpu.memref_slice %arg4[%select_n3A, %mul3A_32, %dma_wait3A_134, %dma_wait3A_135] : memref<16x32x256x256xf32, #tpu.memory_space<hbm>> -> memref<1x16x8x256xf32, #tpu.memory_space<hbm>>
    %dma_wait3A_137 = tpu.memref_squeeze %dma_wait3A_136 : memref<1x16x8x256xf32, #tpu.memory_space<hbm>> -> memref<16x8x256xf32, #tpu.memory_space<hbm>>
    tpu.wait_dma2 semaphore(%arg14 : memref<!tpu.dma_semaphore, #tpu.memory_space<semaphore_mem>>) src(%arg9 : memref<16x8x256xf32, #tpu.memory_space<vmem>>) dst(%dma_wait3A_137 : memref<16x8x256xf32, #tpu.memory_space<hbm>>)
    return
  }
}

</mosaic_0001>

<sc_bundles>
// kernel: kernel.3.cloned.1.call-start
scs
__scs_entry_jumppad:
0x0: {  	(pc) =	sbr.rel $0x88, $3  }
0x1: {  	(tag) =	ssettag $0x0;
	lr =	simm.s32 $0x1  }
0x2: {  	[smem:$0x3F9F] =	sst lr;
	_ =	strace $0xD0000000  }
0x3: {  	_ = 	snop  }
0x4: {  	_ = 	snop  }
0x5: {  	_ = 	snop  }
0x6: {  	_ = 	snop  }
0x7: {  	_ = 	snop  }
__scs_overlays_trampoline_lowered:
0x8: {  	[smem:$0x3FAE] =	sst s0  }
0x9: {  	[smem:$0x3FAF] =	sst s1  }
0xa: {  	[smem:$0x3FB0] =	sst s2  }
0xb: {  	[smem:$0x3FB1] =	sst s3  }
0xc: {  	[smem:$0x3FB2] =	sst s4  }
0xd: {  	[smem:$0x3FB3] =	sst s5  }
0xe: {  	[smem:$0x3FB4] =	sst s6  }
0xf: {  	[smem:$0x3FB5] =	sst s7  }
0x10: {  	[smem:$0x3FB6] =	sst s8  }
0x11: {  	[smem:$0x3FB7] =	sst s9;
	s0 =	simm.s32 @!p0 $0x0  }
0x12: {  	s1 =	sld [smem:$0x3F9D];
	s0 =	simm.s32 @p0 $0x1  }
0x13: {  	[smem:$0x3FB8] =	sst s0;
	s0 =	simm.s32 @!p1 $0x0  }
0x14: {  	s2 =	sld [smem:$0x3F9C];
	s0 =	simm.s32 @p1 $0x1  }
0x15: {  	[smem:$0x3FB9] =	sst s0;
	s0 =	simm.s32 @!p2 $0x0  }
0x16: {  	s3 =	sld [smem:$0x3FDB];
	s0 =	simm.s32 @p2 $0x1  }
0x17: {  	s4 =	simm.s32 $0x1BF5;
	[smem:$0x3FBB] =	sst s0  }
0x18: {  	s0 =	sld [smem:$0x3F9E];
	_ =	swait.ge [sflag:s4], $0x0  }
0x19: {  	s7 =	sld [smem:$0x3F9F]  }
0x1a: {  	s8 =	sadd.s32 $0xFFFFE003, lr  }
0x1b: {  	s9 =	sadd.s32 $0xFFFFFEF7, lr;
	s5 =	simm.s32 $0xFFFFFFFF;
	p2 =	slt.u32 s8, $0xFFFFF086  }
0x1c: {  	p1 =	slt.u32 s9, $0xF7A;
	s5 =	simm.s32 @!p2 $0x0  }
0x1d: {  	s5 =	simm.s32 @p1 $0x1;
	p0 =	seq.s32 s7, s2  }
0x1e: {  	s7 =	smul.u32 @!p0 $0xF7A, s2;
	p2 =	seq.s32 @!p0 s5, $0x0  }
0x1f: {  	s9 =	smul.u32 $0xF7A, s1;
	s8 =	simm.s32 @!p0 $0x1BF5;
	p2 =	por !p2, p0  }
0x20: {  	[sflag:s8] =	ssyncset.s32 @!p0 $0xFFFFF086;
	s6 =	sadd.s32 @!p0 s3, s7;
	s7 =	simm.s32 @!p0 $0x108  }
0x21: {  	s3 =	sadd.s32 s3, s9;
	s6 =	sadd.s32 @!p0 $0x88, s6;
	s7 =	simm.s32 @p2 $0x1082  }
0x22: {  	[simem:s7], [sflag:s8] =	dma.local @!p0 [hbm:s6], $0xF7A  }
0x23: {  	s9 =	sor.u32 $0xD0000000, s2;
	s6 =	simm.s32 $0x108;
	_ =	swait.ge @!p0 [sflag:s8], $0x0  }
0x24: {  	s3 =	sadd.s32 $0x88, s3;
	s6 =	simm.s32 @!p1 $0x1082;
	[sflag:s4] =	ssyncset.s32 $0xFFFFF086  }
0x25: {  	[simem:s6], [sflag:s4] =	dma.local [hbm:s3], $0xF7A  }
0x26: {  	[smem:$0x3F9F] =	sst s1;
	(tag) =	ssettag s2;
	_ =	strace s9  }
0x27: {  	s1 =	sld [smem:$0x3FAF]  }
0x28: {  	s2 =	sld [smem:$0x3FB0]  }
0x29: {  	s4 =	sld [smem:$0x3FB2]  }
0x2a: {  	p0 =	seq.s32 s5, $0x0;
	s5 =	sld [smem:$0x3FB3]  }
0x2b: {  	s6 =	sld [smem:$0x3FB4]  }
0x2c: {  	s7 =	sld [smem:$0x3FB5]  }
0x2d: {  	s3 =	simm.s32 $0x108;
	s8 =	sld [smem:$0x3FB6]  }
0x2e: {  	s3 =	simm.s32 @!p0 $0x1082;
	s9 =	sld [smem:$0x3FB7]  }
0x2f: {  	lr =	sadd.s32 s0, s3;
	s0 =	sld [smem:$0x3FAE]  }
0x30: {  	s3 =	sld [smem:$0x3FB1]  }
0x31: {  	[smem:$0x3FBA] =	sst s10  }
0x32: {  	s10 =	sld [smem:$0x3FB8];
	_ =	sdelay $0x3  }
0x33: {  	p0 =	seq.s32 s10, $0x1;
	s10 =	sld [smem:$0x3FBA];
	_ =	sdelay $0x3  }
0x34: {  	[smem:$0x3FBA] =	sst s10  }
0x35: {  	s10 =	sld [smem:$0x3FB9];
	_ =	sdelay $0x3  }
0x36: {  	p1 =	seq.s32 s10, $0x1;
	s10 =	sld [smem:$0x3FBA];
	_ =	sdelay $0x3  }
0x37: {  	[smem:$0x3FBA] =	sst s10  }
0x38: {  	s10 =	sld [smem:$0x3FBB]  }
0x39: {  	_ = 	snop;
	(pc) =	sbr.ind lr, $3  }
0x3a: {  	_ = 	snop  }
0x3b: {  	_ = 	snop  }
0x3c: {  	p2 =	seq.s32 s10, $0x1;
	s10 =	sld [smem:$0x3FBA]  }
0x3d: {  	_ =	shalt  }
0x3e: {  	_ =	shalt  }
0x3f: {  	_ =	shalt  }
0x40: {  	_ =	shalt  }
0x41: {  	_ =	shalt  }
0x42: {  	_ =	shalt  }
0x43: {  	_ =	shalt  }
0x44: {  	_ =	shalt  }
0x45: {  	_ =	shalt  }
0x46: {  	_ =	shalt  }
0x47: {  	_ =	shalt  }
0x48: {  	_ =	shalt  }
0x49: {  	_ =	shalt  }
0x4a: {  	_ =	shalt  }
0x4b: {  	_ =	shalt  }
0x4c: {  	_ =	shalt  }
0x4d: {  	_ =	shalt  }
0x4e: {  	_ =	shalt  }
0x4f: {  	_ =	shalt  }
0x50: {  	_ =	shalt  }
0x51: {  	_ =	shalt  }
0x52: {  	_ =	shalt  }
0x53: {  	_ =	shalt  }
0x54: {  	_ =	shalt  }
0x55: {  	_ =	shalt  }
0x56: {  	_ =	shalt  }
0x57: {  	_ =	shalt  }
0x58: {  	_ =	shalt  }
0x59: {  	_ =	shalt  }
0x5a: {  	_ =	shalt  }
0x5b: {  	_ =	shalt  }
0x5c: {  	_ =	shalt  }
0x5d: {  	_ =	shalt  }
0x5e: {  	_ =	shalt  }
0x5f: {  	_ =	shalt  }
0x60: {  	_ =	shalt  }
0x61: {  	_ =	shalt  }
0x62: {  	_ =	shalt  }
0x63: {  	_ =	shalt  }
0x64: {  	_ =	shalt  }
0x65: {  	_ =	shalt  }
0x66: {  	_ =	shalt  }
0x67: {  	_ =	shalt  }
0x68: {  	_ =	shalt  }
0x69: {  	_ =	shalt  }
0x6a: {  	_ =	shalt  }
0x6b: {  	_ =	shalt  }
0x6c: {  	_ =	shalt  }
0x6d: {  	_ =	shalt  }
0x6e: {  	_ =	shalt  }
0x6f: {  	_ =	shalt  }
0x70: {  	_ =	shalt  }
0x71: {  	_ =	shalt  }
0x72: {  	_ =	shalt  }
0x73: {  	_ =	shalt  }
0x74: {  	_ =	shalt  }
0x75: {  	_ =	shalt  }
0x76: {  	_ =	shalt  }
0x77: {  	_ =	shalt  }
0x78: {  	_ =	shalt  }
0x79: {  	_ =	shalt  }
0x7a: {  	_ =	shalt  }
0x7b: {  	_ =	shalt  }
0x7c: {  	_ =	shalt  }
0x7d: {  	_ =	shalt  }
0x7e: {  	_ =	shalt  }
0x7f: {  	_ =	shalt  }
0x80: {  	_ =	shalt  }
0x81: {  	_ =	shalt  }
0x82: {  	_ =	shalt  }
0x83: {  	_ =	shalt  }
0x84: {  	_ =	shalt  }
0x85: {  	_ =	shalt  }
0x86: {  	_ =	shalt  }
0x87: {  	_ =	shalt  }
.Lfunc_end0:
.L_simem_size_0:
called_computation_lowered:
.L_overlay_start_0:
0x88: {  	s2 =	sld [smem:$0x3FD9]  }
0x89: {  	s3 =	sld [smem:$0x3FFE];
	_ =	sdelay $0x1  }
0x8a: {  	s1 =	srdreg.scid  }
0x8b: {  	s0 =	sand.u32 $0x1, s1  }
0x8c: {  	s17 =	sshll.u32 s0, $0xA;
	s2 =	sadd.s32 s3, s2  }
0x8d: {  	s2 =	sadd.s32 s2, s17  }
0x8e: {  	[smem:$0x3FC6] =	sst s2  }
0x8f: {  	_ = 	snop  }
0x90: {  	s2 =	sld [smem:$0x3FC9]  }
0x91: {  	s18 =	sld [smem:$0x3FD0];
	(tm) =	ssettm $0x1  }
0x92: {  	s4 =	sld [smem:$0x3FFB];
	_ =	sdelay $0x3  }
0x93: {  	_ =	strace s4  }
0x94: {  	s4 =	sld [smem:$0x3FFC];
	_ =	sdelay $0x3  }
0x95: {  	_ =	strace s4  }
0x96: {  	s4 =	sld [smem:$0x3FFD];
	_ =	sdelay $0x3  }
0x97: {  	_ =	strace s4  }
0x98: {  	_ =	strace $0x8FFFFFFF  }
0x99: {  	s19 =	sld [smem:$0x3FDB];
	_ =	sdelay $0x1  }
0x9a: {  	s5 =	simm.s32 $_scs_section_size  }
0x9b: {  	s6 =	simm.s32 $_size__tile_overlayer_lowered;
	s7 =	simm.s32 $_tile_overlayer_lowered  }
0x9c: {  	s22 =	simm.s32 $0x1BFF;
	s21 =	sshll.u32 s7, $0x1;
	s4 =	sadd.s32 s5, s19  }
0x9d: {  	s8 =	simm.s32 $0x0;
	s20 =	sshll.u32 s6, $0x1;
	s6 =	sadd.s32 s21, s4  }
0x9e: {  	[timem:s8], [sflag:s22] =	dma.local [hbm:s6], s20  }
0x9f: {  	_ =	swait.ge [sflag:s22], s20  }
0xa0: {  	s5 =	ssub.s32 $0x0, s20;
	[sflag:s22] =	ssyncset.done $0x0  }
0xa1: {  	[sflag:s22] =	ssyncadd.s32 s5;
	_ =	sdelay $0x1  }
0xa2: {  	s23 =	simm.s32 $0x1B8B  }
0xa3: {  	_ =	swait.ge [sflag:s23], $0x1  }
0xa4: {  	[sflag:s23] =	ssyncset.done $0x0  }
0xa5: {  	s25 =	simm.s32 $0x1B8E;
	s24 =	sld [smem:$0x3FFE];
	[sflag:s23] =	ssyncadd.s32 $0xFFFFFFFF  }
0xa6: {  	s26 =	simm.s32 $execute0_lowered;
	[smem:$0x3FD2] =	sst s25  }
0xa7: {  	s6 =	sshll.u32 s26, $0x1;
	_ =	strace $0x80000046;
	[dreg:$0x1] =	wrdreg $0xFFFFFFFF  }
0xa8: {  	s28 =	simm.s32 $_size_execute0_lowered;
	s4 =	sadd.s32 s4, s6;
	[dreg:$0x0] =	wrdreg $0x0  }
0xa9: {  	s6 =	sshll.u32 s28, $0x1;
	[dreg:$0x2] =	wrdreg s4  }
0xaa: {  	[dreg:$0x3] =	wrdreg s6  }
0xab: {  	[dreg:$0x4] =	wrdreg $0xC0  }
0xac: {  	_ =	task [dreg:s8], $0x5FFFF  }
0xad: {  	[dreg:$0x1] =	wrdreg $0xFFFFFFFF  }
0xae: {  	[dreg:$0x0] =	wrdreg $0x60  }
0xaf: {  	[dreg:$0x2] =	wrdreg s2  }
0xb0: {  	[dreg:$0x3] =	wrdreg s24  }
0xb1: {  	[dreg:$0x4] =	wrdreg s18  }
0xb2: {  	[dreg:$0x5] =	wrdreg $0x9  }
0xb3: {  	_ =	task.clear_ibuf [dreg:s8], $0x6FFFF;
	_ =	strace $0x90000046  }
0xb4: {  	s29 =	simm.s32 $0x9;
	_ =	strace $0x80000048  }
0xb5: {  	_ =	swait.ge [sflag:s29], $0x1  }
0xb6: {  	[sflag:s29] =	ssyncadd.s32 $0xFFFFFFFF  }
0xb7: {  	_ =	strace $0x90000048  }
0xb8: {  	_ =	sfence  }
0xb9: {  	s30 =	sld [smem:$0x0];
	_ =	sdelay $0x2  }
0xba: {  	s31 =	sshll.u32 s1, $0xD;
	s1 =	sshrl.u32 s1, $0x2  }
0xbb: {  	s3 =	sand.u32 $0x4000, s31;
	s1 =	sadd.s32 s1, s30  }
0xbc: {  	s0 =	sor.u32 s3, s0;
	s1 =	sshll.u32 s1, $0x11  }
0xbd: {  	s0 =	sor.u32 s1, s0  }
0xbe: {  	s0 =	sadd.s32 $0x8F2B, s0  }
0xbf: {  	[sflag:s0] =	ssyncadd.remote.s32 $0x1  }
0xc0: {  	_ =	sfence.sel $0xFFFF  }
0xc1: {  	[dreg:$0x0] =	wrdreg $0xFFFFFFFF;
	(pc) =	sbr.abs _section_cstart, $3  }
0xc2: {  	[dreg:$0x1] =	wrdreg $0xFFFFFFFF  }
0xc3: {  	_ =	task.clear_ibuf [dreg:s8], $0x2FFFF;
	_ =	strace $0x9FFFFFFF  }
0xc4: {  	(tm) =	ssettm $0x7FFFFFFF  }
0xc5: {  	_ =	shalt  }
tec
execute0_lowered:
.L_overlay_start_1:
0x0: {  	(tag) =	ssettag $0x1  }
0x1: {  	s31 =	rddreg [dreg:$0x0]  }
0x2: {  	s0 =	srdreg.scid;
	s1 =	rddreg [dreg:$0x1];
	s4 =	simm.s32 $0x0  }
0x3: {  	s5 =	stileid.u32;
	s0 =	sand.u32 $0x1, s0;
	[smem:$0x7FF] =	sst s4  }
0x4: {  	s1 =	sadd.s32 $0x400, s1;
	s2 =	sor.u32 s0, s5;
	p1 =	seq.s32 s0, $0x1  }
0x5: {  	_ =	strace $0x80000047;
	s3 =	ssub.s32 $0x2, s0;
	[smem:$0x7F8] =	sst s1  }
0x6: {  	s25 =	sshll.u32 s0, $0x9;
	s0 =	sshll.u32 s0, $0x14;
	p0 =	seq.s32 s2, $0x0  }
0x7: {  	s2 =	simm.s32 $0x1;
	s23 =	sshrl.u32 s3, $0x1;
	s26 =	sor.u32 $0x20, s25  }
0x8: {  	s6 =	sor.u32 $0x40, s25;
	s7 =	sor.u32 $0x60, s25;
	s8 =	sor.u32 $0x80, s25  }
0x9: {  	s10 =	sor.u32 $0xA0, s25;
	s11 =	sor.u32 $0xC0, s25;
	s12 =	sor.u32 $0xE0, s25  }
0xa: {  	s14 =	sor.u32 $0x100, s25;
	s15 =	sor.u32 $0x120, s25;
	p0 =	por !p0, !p1  }
0xb: {  	s17 =	sor.u32 $0x140, s25;
	s18 =	sor.u32 $0x160, s25;
	p0 =	por !p0, !p0  }
0xc: {  	s19 =	sor.u32 $0x180, s25;
	s1 =	ssub.s32 s3, s23;
	s2 =	simm.s32 @!p0 $0x0  }
0xd: {  	s20 =	sor.u32 $0x1A0, s25;
	v3 =	vmov s25;
	s30 =	smax.u32 s1, $0x1;
	s2 =	ssub.s32 s5, s2  }
0xe: {  	v0 =	vmov s26;
	v1 =	vmov s6;
	v2 =	vmov s7;
	[smem:$0x7FD] =	sst s30;
	s9 =	sshll.u32 s2, $0x10;
	s2 =	sshll.u32 s2, $0x15  }
0xf: {  	s28 =	sor.u32 $0x1C0, s25;
	v4 =	vmov s8;
	v5 =	vmov s10;
	v6 =	vmov s11;
	s0 =	sor.u32 s0, s2;
	[smem:$0x7FB] =	sst s9  }
0x10: {  	v7 =	vmov s12;
	v8 =	vmov s14;
	v9 =	vmov s15;
	s24 =	sshrl.u32 s9, $0x3;
	s29 =	sor.u32 $0x1000, s9;
	[smem:$0x7FA] =	sst s0  }
0x11: {  	v10 =	vmov s17;
	v11 =	vmov s18;
	v12 =	vmov s19;
	s5 =	sor.u32 $0x1E0, s25;
	s3 =	sadd.s32 s31, s24;
	[smem:$0x7FC] =	sst s29  }
0x12: {  	v13 =	vmov s20;
	v14 =	vmov s28;
	v15 =	vmov s5;
	s2 =	simm.s32 $0x0;
	[smem:$0x7F9] =	sst s3  }
.LBB2_1:
0x13: {  	s0 =	sld [smem:$0x7F8];
	_ =	sdelay $0x1  }
0x14: {  	[smem:$0x7F7] =	sst s2;
	s29 =	simm.s32 $0x1  }
0x15: {  	[tilespmem:s4], [sflag:$0x1] =	stream.linear.gather [hbm4b:s0+s4], $0x400, $0x38;
	[tilespmem:$0x11400] =	vst v63  }
0x16: {  	_ =	swait.ge [sflag:s29], $0x400  }
0x17: {  	s30 =	sld [smem:$0x7F9]  }
0x18: {  	[sflag:s29] =	ssyncset.done $0x0  }
0x19: {  	s1 =	simm.s32 $0x400;
	s23 =	simm.s32 $0x0;
	[sflag:s29] =	ssyncadd.s32 $0xFFFFFC00  }
0x1a: {  	[tilespmem:s1], [sflag:$0x2] =	stream.linear.gather [hbm4b:s30+s4], $0x800, $0x38;
	[tilespmem:$0x11400] =	vst v63  }
.LBB2_2:
0x1b: {  	s1 =	simm.s32 $0x2  }
0x1c: {  	_ =	swait.ge [sflag:s1], $0x800  }
0x1d: {  	s0 =	sld [smem:$0x7FB]  }
0x1e: {  	s25 =	sshll.u32 s23, $0xC  }
0x1f: {  	s2 =	sor.u32 $0x800, s25  }
0x20: {  	s24 =	smov.u32 s31;
	s0 =	sor.u32 s0, s2  }
0x21: {  	p0 =	seq.s32 s23, $0x0;
	[sflag:s1] =	ssyncset.done $0x0;
	s0 =	sshrl.u32 s0, $0x3  }
0x22: {  	[sflag:s1] =	ssyncadd.s32 $0xFFFFF800;
	s0 =	sadd.s32 s31, s0;
	s31 =	simm.s32 $0xC00  }
0x23: {  	[tilespmem:s31], [sflag:$0x3] =	stream.linear.gather [hbm4b:s0+s4], $0x800, $0x38;
	[tilespmem:$0x11400] =	vst v63  }
0x24: {  	[smem:$0x7F6] =	sst s2;
	s0 =	simm.s32 @!p0 $0x4  }
0x25: {  	_ =	swait.ge @!p0 [sflag:s0], $0x8000  }
0x26: {  	[sflag:s0] =	ssyncset.done @!p0 $0x0  }
0x27: {  	s26 =	simm.s32 $0x0;
	s28 =	simm.s32 $0x0;
	[sflag:s0] =	ssyncadd.s32 @!p0 $0xFFFF8000  }
.LBB2_3:
0x28: {  	s8 =	sshll.u32 s28, $0x7  }
0x29: {  	s0 =	sadd.s32 $0x1C00, s8  }
0x2a: {  	s18 =	sadd.s32 $0x2400, s8;
	[dreg:$0x4] =	wrdreg s0  }
0x2b: {  	s19 =	sadd.s32 $0x2C00, s8;
	[dreg:$0x5] =	wrdreg s18  }
0x2c: {  	s20 =	sadd.s32 $0x3400, s8;
	[dreg:$0x6] =	wrdreg s19  }
0x2d: {  	s21 =	sadd.s32 $0x3C00, s8;
	[dreg:$0x7] =	wrdreg s20  }
0x2e: {  	s22 =	sadd.s32 $0x4400, s8;
	[dreg:$0x8] =	wrdreg s21  }
0x2f: {  	s1 =	sadd.s32 $0x4C00, s8;
	[dreg:$0x9] =	wrdreg s22  }
0x30: {  	s2 =	sadd.s32 $0x5400, s8;
	[dreg:$0xa] =	wrdreg s1  }
0x31: {  	s3 =	sadd.s32 $0x5C00, s8;
	[dreg:$0xb] =	wrdreg s2  }
0x32: {  	s5 =	sadd.s32 $0x6400, s8;
	[dreg:$0xc] =	wrdreg s3  }
0x33: {  	s6 =	sadd.s32 $0x6C00, s8;
	[dreg:$0xd] =	wrdreg s5  }
0x34: {  	s7 =	sadd.s32 $0x7400, s8;
	s9 =	sadd.s32 $0x7C00, s8;
	[dreg:$0xe] =	wrdreg s6  }
0x35: {  	s10 =	sadd.s32 $0x8400, s8;
	[dreg:$0xf] =	wrdreg s7;
	s1 =	simm.s32 $0x0  }
0x36: {  	s11 =	sadd.s32 $0x8C00, s8;
	[dreg:$0x10] =	wrdreg s9;
	s31 =	sand.u32 $0x70, s1  }
0x37: {  	[dreg:$0x11] =	wrdreg s10;
	s2 =	sand.u32 $0x400, s26;
	s1 =	sor.u32 s8, s31  }
0x38: {  	[dreg:$0x12] =	wrdreg s11;
	s14 =	sor.u32 s2, s1  }
0x39: {  	v17 =	vld [tilespmem:s14+$0x400];
	_ =	sdelay $0x4  }
0x3a: {  	s22 =	simm.s32 $0x10;
	v16 =	vadd.s32 v1, v17  }
0x3b: {  	s17 =	simm.s32 $0x80;
	s29 =	sand.u32 $0x70, s22;
	v18 =	vadd.s32 v10, v17  }
0x3c: {  	s30 =	sand.u32 $0x400, s17;
	s12 =	sor.u32 s8, s29;
	v20 =	vadd.s32 v3, v17  }
0x3d: {  	s0 =	sor.u32 s30, s12;
	v22 =	vadd.s32 v6, v17  }
0x3e: {  	v19 =	vld [tilespmem:s0+$0x400];
	v23 =	vadd.s32 v5, v17  }
0x3f: {  	s13 =	rddreg [dreg:$0x9];
	v24 =	vadd.s32 v15, v17;
	v16 =	vld.idx.msk [tilespmem:v16+s4+$0x0], $0xffff  }
0x40: {  	s3 =	rddreg [dreg:$0x8];
	v25 =	vadd.s32 v12, v17;
	v21 =	vld.idx.msk [tilespmem:v18+s4+$0x0], $0xffff  }
0x41: {  	s5 =	rddreg [dreg:$0x7];
	v26 =	vadd.s32 v2, v17;
	v28 =	vld.idx.msk [tilespmem:v20+s4+$0x0], $0xffff  }
0x42: {  	s6 =	rddreg [dreg:$0x6];
	v27 =	vadd.s32 v13, v17;
	v20 =	vld.idx.msk [tilespmem:v22+s4+$0x0], $0xffff  }
0x43: {  	s7 =	rddreg [dreg:$0x5];
	v29 =	vadd.s32 v11, v17;
	v18 =	vld.idx.msk [tilespmem:v23+s4+$0x0], $0xffff  }
0x44: {  	s15 =	rddreg [dreg:$0x4];
	v35 =	vadd.s32 v4, v17;
	v31 =	vld.idx.msk [tilespmem:v24+s4+$0x0], $0xffff  }
0x45: {  	s18 =	rddreg [dreg:$0xd];
	v22 =	vadd.s32 v14, v17;
	v25 =	vld.idx.msk [tilespmem:v25+s4+$0x0], $0xffff  }
0x46: {  	s21 =	rddreg [dreg:$0xe];
	s3 =	sadd.s32 s2, s3;
	s16 =	sadd.s32 s2, s6;
	v23 =	vld.idx.msk [tilespmem:v26+s4+$0x0], $0xffff;
	v26 =	vadd.s32 v8, v17  }
0x47: {  	s5 =	sadd.s32 s2, s5;
	s7 =	sadd.s32 s2, s7;
	s1 =	sadd.s32 s2, s13;
	v33 =	vld.idx.msk [tilespmem:v27+s4+$0x0], $0xffff;
	v24 =	vadd.s32 v0, v17  }
0x48: {  	s11 =	sadd.s32 s31, s3;
	s12 =	sadd.s32 s31, s16;
	s19 =	sadd.s32 s31, s5;
	v27 =	vadd.s32 v9, v17;
	v34 =	vld.idx.msk [tilespmem:v29+s4+$0x0], $0xffff  }
0x49: {  	s7 =	sadd.s32 s31, s7;
	s20 =	sadd.s32 s31, s1;
	s1 =	sadd.s32 s2, s15;
	v30 =	vadd.s32 v7, v17;
	v17 =	vld.idx.msk [tilespmem:v35+s4+$0x0], $0xffff  }
0x4a: {  	s15 =	rddreg [dreg:$0x10];
	s5 =	sadd.s32 s31, s1;
	s1 =	sadd.s32 s2, s18;
	v32 =	vadd.s32 v8, v19;
	v29 =	vadd.s32 v0, v19;
	v22 =	vld.idx.msk [tilespmem:v22+s4+$0x0], $0xffff  }
.LBB2_4:
0x4b: {  	v35 =	vld.idx.msk [tilespmem:v26+s4+$0x0], $0xffff  }
0x4c: {  	s22 =	sadd.s32 $0x10, s22;
	s10 =	rddreg [dreg:$0x12];
	s3 =	smov.u32 s31;
	v37 =	vld.idx.msk [tilespmem:v24+s4+$0x0], $0xffff  }
0x4d: {  	s31 =	smov.u32 s29;
	s6 =	smov.u32 s2;
	s2 =	smov.u32 s30;
	v38 =	vmov v23;
	v23 =	vld.idx.msk [tilespmem:v27+s4+$0x0], $0xffff  }
0x4e: {  	s17 =	sadd.s32 $0x80, s17;
	v61 =	vld.idx.msk [tilespmem:v30+s4+$0x0], $0xffff;
	[tilespmem:s14+$0x1400] =	vst v28;
	s13 =	rddreg [dreg:$0xc];
	s14 =	smov.u32 s0  }
0x4f: {  	v24 =	vmov v29;
	v29 =	vadd.s32 v1, v19;
	s29 =	sand.u32 $0x70, s22;
	s30 =	sand.u32 $0x400, s17;
	s10 =	sadd.s32 s6, s10  }
0x50: {  	v40 =	vadd.s32 v10, v19;
	s15 =	sadd.s32 s6, s15;
	s16 =	sor.u32 s8, s29;
	s10 =	sadd.s32 s3, s10  }
0x51: {  	v36 =	vmov v25;
	v25 =	vadd.s32 v3, v19;
	s18 =	sadd.s32 s6, s21;
	s15 =	sadd.s32 s3, s15;
	s16 =	sor.u32 s30, s16;
	[tilespmem:s10+$0x0] =	vst v31  }
0x52: {  	v39 =	vadd.s32 v6, v19;
	s9 =	rddreg [dreg:$0xa];
	s18 =	sadd.s32 s3, s18;
	[tilespmem:s15+$0x0] =	vst v33;
	s0 =	smov.u32 s16  }
0x53: {  	v42 =	vadd.s32 v5, v19;
	s21 =	rddreg [dreg:$0xb];
	s13 =	sadd.s32 s6, s13;
	s1 =	sadd.s32 s3, s1;
	v31 =	vld [tilespmem:s0+$0x400];
	[tilespmem:s18+$0x0] =	vst v34  }
0x54: {  	v62 =	vadd.s32 v15, v19;
	s13 =	sadd.s32 s3, s13;
	s10 =	smov.u32 s19;
	s19 =	sadd.s32 s6, s21;
	v34 =	vld.idx.msk [tilespmem:v29+s4+$0x0], $0xffff;
	[tilespmem:s1+$0x0] =	vst v21  }
0x55: {  	v27 =	vadd.s32 v9, v19;
	v44 =	vadd.s32 v12, v19;
	s9 =	sadd.s32 s6, s9;
	s21 =	rddreg [dreg:$0x11];
	s15 =	sadd.s32 s3, s19;
	v21 =	vld.idx.msk [tilespmem:v40+s4+$0x0], $0xffff;
	[tilespmem:s13+$0x0] =	vst v23  }
0x56: {  	v30 =	vadd.s32 v7, v19;
	v47 =	vadd.s32 v2, v19;
	s9 =	sadd.s32 s3, s9;
	s16 =	rddreg [dreg:$0xf];
	v28 =	vld.idx.msk [tilespmem:v25+s4+$0x0], $0xffff;
	[tilespmem:s15+$0x0] =	vst v35  }
0x57: {  	v41 =	vadd.s32 v4, v19;
	v45 =	vadd.s32 v13, v19;
	s19 =	rddreg [dreg:$0x9];
	s1 =	sadd.s32 s6, s21;
	v35 =	vld.idx.msk [tilespmem:v39+s4+$0x0], $0xffff;
	[tilespmem:s9+$0x0] =	vst v61  }
0x58: {  	v26 =	vmov v32;
	v43 =	vadd.s32 v11, v19;
	v46 =	vadd.s32 v14, v19;
	s18 =	rddreg [dreg:$0x8];
	s1 =	sadd.s32 s3, s1;
	v63 =	vld.idx.msk [tilespmem:v42+s4+$0x0], $0xffff;
	[tilespmem:s20+$0x0] =	vst v20  }
0x59: {  	p0 =	slt.u32 s22, $0xF0;
	s6 =	sadd.s32 s6, s16;
	s21 =	rddreg [dreg:$0x6];
	v29 =	vadd.s32 v0, v31;
	v32 =	vadd.s32 v8, v31;
	v19 =	vmov v31;
	v31 =	vld.idx.msk [tilespmem:v62+s4+$0x0], $0xffff;
	[tilespmem:s1+$0x0] =	vst v22  }
0x5a: {  	s16 =	sadd.s32 s2, s19;
	s19 =	rddreg [dreg:$0x5];
	s3 =	sadd.s32 s3, s6;
	v25 =	vld.idx.msk [tilespmem:v44+s4+$0x0], $0xffff;
	[tilespmem:s11+$0x0] =	vst v18  }
0x5b: {  	s21 =	sadd.s32 s2, s21;
	s15 =	sadd.s32 s2, s18;
	s18 =	rddreg [dreg:$0x4];
	v23 =	vld.idx.msk [tilespmem:v47+s4+$0x0], $0xffff;
	[tilespmem:s3+$0x0] =	vst v36  }
.Ltmp0:
0x5c: {  	s9 =	rddreg [dreg:$0x7];
	s18 =	sadd.s32 s2, s18;
	v33 =	vld.idx.msk [tilespmem:v45+s4+$0x0], $0xffff;
	[tilespmem:s7+$0x0] =	vst v16;
	(pc) =	sbr.rel @p0 .LBB2_4-.Ltmp0, $4  }
0x5d: {  	s20 =	sadd.s32 s31, s16;
	s13 =	sadd.s32 s2, s9;
	s16 =	rddreg [dreg:$0xd];
	v22 =	vld.idx.msk [tilespmem:v46+s4+$0x0], $0xffff;
	[tilespmem:s12+$0x0] =	vst v38  }
0x5e: {  	s1 =	sadd.s32 s2, s19;
	s19 =	sadd.s32 s31, s13;
	s11 =	sadd.s32 s31, s15;
	v16 =	vmov v34;
	v34 =	vld.idx.msk [tilespmem:v43+s4+$0x0], $0xffff;
	[tilespmem:s5+$0x0] =	vst v37  }
0x5f: {  	s15 =	rddreg [dreg:$0x10];
	s7 =	sadd.s32 s31, s1;
	s1 =	sadd.s32 s2, s16;
	[tilespmem:s10+$0x0] =	vst v17  }
0x60: {  	v20 =	vmov v35;
	s12 =	sadd.s32 s31, s21;
	s21 =	rddreg [dreg:$0xe];
	v18 =	vmov v63;
	s5 =	sadd.s32 s31, s18;
	v17 =	vld.idx.msk [tilespmem:v41+s4+$0x0], $0xffff  }
0x61: {  	_ =	sdelay $0x3  }
0x62: {  	v26 =	vld.idx.msk [tilespmem:v26+s4+$0x0], $0xffff  }
0x63: {  	v24 =	vld.idx.msk [tilespmem:v24+s4+$0x0], $0xffff;
	v35 =	vadd.s32 v1, v19  }
0x64: {  	v27 =	vld.idx.msk [tilespmem:v27+s4+$0x0], $0xffff;
	v50 =	vadd.s32 v10, v19  }
0x65: {  	v30 =	vld.idx.msk [tilespmem:v30+s4+$0x0], $0xffff;
	v36 =	vadd.s32 v3, v19  }
0x66: {  	s3 =	rddreg [dreg:$0x12];
	v37 =	vadd.s32 v6, v19;
	v60 =	vld.idx.msk [tilespmem:v32+s4+$0x0], $0xffff  }
0x67: {  	v51 =	vadd.s32 v5, v19;
	v61 =	vld.idx.msk [tilespmem:v29+s4+$0x0], $0xffff;
	s18 =	rddreg [dreg:$0x12]  }
0x68: {  	[tilespmem:s14+$0x1400] =	vst v28;
	s14 =	sadd.s32 s2, s21;
	v52 =	vadd.s32 v15, v19;
	s21 =	rddreg [dreg:$0x10];
	v35 =	vld.idx.msk [tilespmem:v35+s4+$0x0], $0xffff  }
0x69: {  	s9 =	sadd.s32 s2, s15;
	v38 =	vadd.s32 v12, v19;
	s6 =	rddreg [dreg:$0xc];
	v28 =	vld.idx.msk [tilespmem:v50+s4+$0x0], $0xffff  }
0x6a: {  	v53 =	vadd.s32 v2, v19;
	s3 =	sadd.s32 s2, s3;
	s8 =	rddreg [dreg:$0xb];
	s10 =	sadd.s32 s31, s9;
	v54 =	vld.idx.msk [tilespmem:v36+s4+$0x0], $0xffff  }
0x6b: {  	v55 =	vadd.s32 v13, v19;
	s9 =	sadd.s32 s31, s14;
	s14 =	rddreg [dreg:$0x5];
	s3 =	sadd.s32 s31, s3;
	v37 =	vld.idx.msk [tilespmem:v37+s4+$0x0], $0xffff  }
0x6c: {  	v39 =	vadd.s32 v14, v19;
	s15 =	sadd.s32 s2, s6;
	s6 =	rddreg [dreg:$0x8];
	[tilespmem:s3+$0x0] =	vst v31;
	v56 =	vld.idx.msk [tilespmem:v51+s4+$0x0], $0xffff  }
0x6d: {  	v57 =	vadd.s32 v11, v19;
	s13 =	rddreg [dreg:$0xa];
	[tilespmem:s10+$0x0] =	vst v33;
	v33 =	vld.idx.msk [tilespmem:v52+s4+$0x0], $0xffff  }
0x6e: {  	v40 =	vadd.s32 v4, v19;
	s3 =	rddreg [dreg:$0x6];
	v38 =	vld.idx.msk [tilespmem:v38+s4+$0x0], $0xffff  }
0x6f: {  	s1 =	sadd.s32 s31, s1;
	v41 =	vadd.s32 v9, v19;
	s10 =	rddreg [dreg:$0x9];
	[tilespmem:s9+$0x0] =	vst v34;
	v34 =	vld.idx.msk [tilespmem:v53+s4+$0x0], $0xffff  }
0x70: {  	v58 =	vadd.s32 v7, v19;
	s8 =	sadd.s32 s2, s8;
	s16 =	sadd.s32 s31, s15;
	v36 =	vld.idx.msk [tilespmem:v55+s4+$0x0], $0xffff;
	[tilespmem:s1+$0x0] =	vst v21;
	s1 =	rddreg [dreg:$0x7]  }
0x71: {  	s8 =	sadd.s32 s31, s8;
	v39 =	vld.idx.msk [tilespmem:v39+s4+$0x0], $0xffff;
	s13 =	sadd.s32 s2, s13;
	s9 =	rddreg [dreg:$0x11];
	[tilespmem:s16+$0x0] =	vst v27  }
0x72: {  	v31 =	vld.idx.msk [tilespmem:v57+s4+$0x0], $0xffff;
	s13 =	sadd.s32 s31, s13;
	s17 =	rddreg [dreg:$0xf];
	[tilespmem:s8+$0x0] =	vst v26  }
0x73: {  	v59 =	vld.idx.msk [tilespmem:v40+s4+$0x0], $0xffff;
	s16 =	rddreg [dreg:$0xe];
	[tilespmem:s13+$0x0] =	vst v30  }
0x74: {  	v62 =	vld.idx.msk [tilespmem:v41+s4+$0x0], $0xffff;
	s8 =	rddreg [dreg:$0x4];
	s9 =	sadd.s32 s2, s9;
	[tilespmem:s20+$0x0] =	vst v20  }
0x75: {  	v63 =	vld.idx.msk [tilespmem:v58+s4+$0x0], $0xffff;
	s13 =	rddreg [dreg:$0xd];
	s9 =	sadd.s32 s31, s9;
	[tilespmem:s0+$0x1400] =	vst v54  }
0x76: {  	s20 =	sadd.s32 s2, s17;
	[tilespmem:s9+$0x0] =	vst v22  }
0x77: {  	s2 =	sadd.s32 s31, s20;
	[tilespmem:s11+$0x0] =	vst v18  }
0x78: {  	s22 =	sadd.s32 s30, s18;
	[tilespmem:s2+$0x0] =	vst v25  }
0x79: {  	s0 =	sadd.s32 s29, s22;
	s31 =	rddreg [dreg:$0xc];
	[tilespmem:s7+$0x0] =	vst v16  }
0x7a: {  	s11 =	sadd.s32 s30, s21;
	s7 =	rddreg [dreg:$0xb];
	[tilespmem:s0+$0x0] =	vst v33  }
0x7b: {  	s17 =	sadd.s32 s30, s16;
	s15 =	sadd.s32 s29, s11;
	[tilespmem:s12+$0x0] =	vst v23  }
0x7c: {  	s9 =	sadd.s32 s29, s17;
	s18 =	rddreg [dreg:$0xa];
	[tilespmem:s15+$0x0] =	vst v36  }
0x7d: {  	s20 =	sadd.s32 s30, s13;
	[tilespmem:s9+$0x0] =	vst v31  }
0x7e: {  	s21 =	sadd.s32 s29, s20;
	[tilespmem:s5+$0x0] =	vst v24  }
0x7f: {  	s2 =	sadd.s32 s30, s31;
	[tilespmem:s21+$0x0] =	vst v28  }
0x80: {  	s22 =	sadd.s32 s29, s2;
	s9 =	sadd.s32 s30, s7;
	[tilespmem:s19+$0x0] =	vst v17  }
0x81: {  	s12 =	sadd.s32 s30, s18;
	s5 =	sadd.s32 s29, s9;
	s31 =	rddreg [dreg:$0x11];
	[tilespmem:s22+$0x0] =	vst v62  }
0x82: {  	s15 =	sadd.s32 s30, s10;
	s0 =	sadd.s32 s29, s12;
	s13 =	rddreg [dreg:$0xf];
	[tilespmem:s5+$0x0] =	vst v60  }
0x83: {  	s16 =	sadd.s32 s29, s15;
	s17 =	sadd.s32 s30, s31;
	[tilespmem:s0+$0x0] =	vst v63  }
0x84: {  	s18 =	sadd.s32 s30, s6;
	s0 =	sadd.s32 s29, s17;
	[tilespmem:s16+$0x0] =	vst v37  }
0x85: {  	s28 =	sadd.s32 $0x1, s28;
	s2 =	sadd.s32 s29, s18;
	s19 =	sadd.s32 s30, s13;
	[tilespmem:s0+$0x0] =	vst v39  }
0x86: {  	p0 =	sne.s32 s28, $0x8;
	s20 =	sadd.s32 s30, s14;
	s5 =	sadd.s32 s29, s19;
	[tilespmem:s2+$0x0] =	vst v56  }
.Ltmp1:
0x87: {  	s21 =	sadd.s32 s30, s3;
	s0 =	sadd.s32 s29, s20;
	[tilespmem:s5+$0x0] =	vst v38;
	(pc) =	sbr.rel @p0 .LBB2_3-.Ltmp1, $4  }
0x88: {  	s22 =	sadd.s32 s30, s8;
	s2 =	sadd.s32 s29, s21;
	[tilespmem:s0+$0x0] =	vst v35  }
0x89: {  	s31 =	sadd.s32 s29, s22;
	s30 =	sadd.s32 s30, s1;
	[tilespmem:s2+$0x0] =	vst v34  }
0x8a: {  	s0 =	sadd.s32 s29, s30;
	[tilespmem:s31+$0x0] =	vst v61  }
0x8b: {  	[tilespmem:s0+$0x0] =	vst v59  }
0x8c: {  	s0 =	sld [smem:$0x7FA];
	_ =	sdelay $0x2  }
0x8d: {  	s1 =	rddreg [dreg:$0x2];
	s0 =	sor.u32 s0, s25  }
0x8e: {  	s29 =	simm.s32 $0x800;
	s2 =	simm.s32 $0x10000;
	s0 =	sshrl.u32 s0, $0x3  }
0x8f: {  	s3 =	simm.s32 $0x1400;
	s30 =	simm.s32 $0x3;
	s0 =	sadd.s32 s1, s0  }
0x90: {  	[hbm4b:s0+s29] =	stream.strided.scatter [tilespmem:s3], [sflag:$0x4], $0x8000, s2, s29, $0x38;
	[tilespmem:$0x11400] =	vst v63  }
0x91: {  	_ =	swait.ge [sflag:s30], $0x800  }
0x92: {  	s0 =	sld [smem:$0x7FC];
	_ =	sdelay $0x1  }
0x93: {  	p0 =	seq.s32 s23, $0xF  }
0x94: {  	p1 =	seq.s32 @!p0 s23, $0x0;
	s0 =	sadd.s32 @!p0 s25, s0  }
0x95: {  	s1 =	simm.s32 @!p0 $0x0;
	[sflag:s30] =	ssyncset.done $0x0;
	s0 =	sshrl.u32 @!p0 s0, $0x3  }
0x96: {  	s2 =	simm.s32 @!p0 $0x400;
	[sflag:s30] =	ssyncadd.s32 $0xFFFFF800;
	s0 =	sadd.s32 @!p0 s24, s0  }
0x97: {  	[tilespmem:s2], [sflag:$0x2] =	stream.linear.gather @!p0 [hbm4b:s0+s1], $0x800, $0x38;
	[tilespmem:$0x11400] =	vst v63  }
0x98: {  	p0 =	por p0, !p1  }
0x99: {  	s0 =	simm.s32 @p0 $0x5  }
0x9a: {  	_ =	swait.ge @p0 [sflag:s0], $0x8000  }
0x9b: {  	s31 =	smov.u32 s24;
	[sflag:s0] =	ssyncset.done @p0 $0x0  }
0x9c: {  	s26 =	simm.s32 $0x0;
	s25 =	simm.s32 $0x0;
	[sflag:s0] =	ssyncadd.s32 @p0 $0xFFFF8000  }
.LBB2_7:
0x9d: {  	s8 =	sshll.u32 s26, $0x7  }
0x9e: {  	s0 =	sadd.s32 $0x9C00, s8  }
0x9f: {  	s22 =	sadd.s32 $0xA400, s8;
	[dreg:$0x13] =	wrdreg s0  }
0xa0: {  	s24 =	sadd.s32 $0xAC00, s8;
	[dreg:$0x14] =	wrdreg s22  }
0xa1: {  	s1 =	sadd.s32 $0xB400, s8;
	[dreg:$0x15] =	wrdreg s24  }
0xa2: {  	s2 =	sadd.s32 $0xBC00, s8;
	[dreg:$0x16] =	wrdreg s1  }
0xa3: {  	s3 =	sadd.s32 $0xC400, s8;
	[dreg:$0x17] =	wrdreg s2  }
0xa4: {  	s5 =	sadd.s32 $0xCC00, s8;
	[dreg:$0x18] =	wrdreg s3  }
0xa5: {  	s6 =	sadd.s32 $0xD400, s8;
	[dreg:$0x19] =	wrdreg s5  }
0xa6: {  	s7 =	sadd.s32 $0xDC00, s8;
	[dreg:$0x1a] =	wrdreg s6  }
0xa7: {  	s9 =	sadd.s32 $0xE400, s8;
	[dreg:$0x1b] =	wrdreg s7  }
0xa8: {  	s10 =	sadd.s32 $0xEC00, s8;
	[dreg:$0x1c] =	wrdreg s9  }
0xa9: {  	s11 =	sadd.s32 $0xF400, s8;
	s12 =	sadd.s32 $0xFC00, s8;
	[dreg:$0x1d] =	wrdreg s10  }
0xaa: {  	s13 =	sadd.s32 $0x10400, s8;
	[dreg:$0x1e] =	wrdreg s11;
	s1 =	simm.s32 $0x0  }
0xab: {  	s14 =	sadd.s32 $0x10C00, s8;
	[dreg:$0x1f] =	wrdreg s12;
	s30 =	sand.u32 $0x70, s1  }
0xac: {  	[smem:$0x7F4] =	sst s13;
	s2 =	sand.u32 $0x400, s25;
	s1 =	sor.u32 s8, s30  }
0xad: {  	[smem:$0x7F5] =	sst s14;
	s14 =	sor.u32 s2, s1  }
0xae: {  	v17 =	vld [tilespmem:s14+$0xC00];
	_ =	sdelay $0x4  }
0xaf: {  	s22 =	simm.s32 $0x10;
	v16 =	vadd.s32 v1, v17  }
0xb0: {  	s17 =	simm.s32 $0x80;
	s28 =	sand.u32 $0x70, s22;
	v18 =	vadd.s32 v10, v17  }
0xb1: {  	s29 =	sand.u32 $0x400, s17;
	s15 =	sor.u32 s8, s28;
	v20 =	vadd.s32 v3, v17  }
0xb2: {  	s0 =	sor.u32 s29, s15;
	v22 =	vadd.s32 v6, v17  }
0xb3: {  	v19 =	vld [tilespmem:s0+$0xC00];
	v23 =	vadd.s32 v5, v17  }
0xb4: {  	s16 =	rddreg [dreg:$0x18];
	v24 =	vadd.s32 v15, v17;
	v16 =	vld.idx.msk [tilespmem:v16+s4+$0x0], $0xffff  }
0xb5: {  	s3 =	rddreg [dreg:$0x17];
	v25 =	vadd.s32 v12, v17;
	v21 =	vld.idx.msk [tilespmem:v18+s4+$0x0], $0xffff  }
0xb6: {  	s5 =	rddreg [dreg:$0x16];
	v26 =	vadd.s32 v2, v17;
	v28 =	vld.idx.msk [tilespmem:v20+s4+$0x0], $0xffff  }
0xb7: {  	s6 =	rddreg [dreg:$0x15];
	v27 =	vadd.s32 v13, v17;
	v20 =	vld.idx.msk [tilespmem:v22+s4+$0x0], $0xffff  }
0xb8: {  	s7 =	rddreg [dreg:$0x14];
	v29 =	vadd.s32 v11, v17;
	v18 =	vld.idx.msk [tilespmem:v23+s4+$0x0], $0xffff  }
0xb9: {  	s18 =	rddreg [dreg:$0x13];
	v35 =	vadd.s32 v4, v17;
	v31 =	vld.idx.msk [tilespmem:v24+s4+$0x0], $0xffff  }
0xba: {  	s24 =	rddreg [dreg:$0x1c];
	v22 =	vadd.s32 v14, v17;
	v25 =	vld.idx.msk [tilespmem:v25+s4+$0x0], $0xffff  }
0xbb: {  	s3 =	sadd.s32 s2, s3;
	s21 =	sadd.s32 s2, s6;
	s5 =	sadd.s32 s2, s5;
	v23 =	vld.idx.msk [tilespmem:v26+s4+$0x0], $0xffff;
	v26 =	vadd.s32 v8, v17  }
0xbc: {  	s7 =	sadd.s32 s2, s7;
	s1 =	sadd.s32 s2, s16;
	s11 =	sadd.s32 s30, s3;
	v33 =	vld.idx.msk [tilespmem:v27+s4+$0x0], $0xffff;
	v24 =	vadd.s32 v0, v17  }
0xbd: {  	s12 =	sadd.s32 s30, s21;
	s19 =	sadd.s32 s30, s5;
	s7 =	sadd.s32 s30, s7;
	v27 =	vadd.s32 v9, v17;
	v34 =	vld.idx.msk [tilespmem:v29+s4+$0x0], $0xffff  }
0xbe: {  	s21 =	rddreg [dreg:$0x1d];
	s20 =	sadd.s32 s30, s1;
	s1 =	sadd.s32 s2, s18;
	v30 =	vadd.s32 v7, v17;
	v17 =	vld.idx.msk [tilespmem:v35+s4+$0x0], $0xffff  }
0xbf: {  	s15 =	rddreg [dreg:$0x1f];
	s5 =	sadd.s32 s30, s1;
	s1 =	sadd.s32 s2, s24;
	v32 =	vadd.s32 v8, v19;
	v29 =	vadd.s32 v0, v19;
	v22 =	vld.idx.msk [tilespmem:v22+s4+$0x0], $0xffff  }
.LBB2_8:
0xc0: {  	v35 =	vld.idx.msk [tilespmem:v26+s4+$0x0], $0xffff  }
0xc1: {  	s22 =	sadd.s32 $0x10, s22;
	s9 =	sld [smem:$0x7F5];
	s3 =	smov.u32 s30;
	v37 =	vld.idx.msk [tilespmem:v24+s4+$0x0], $0xffff  }
0xc2: {  	s30 =	smov.u32 s28;
	s6 =	smov.u32 s2;
	s2 =	smov.u32 s29;
	v38 =	vmov v23;
	v23 =	vld.idx.msk [tilespmem:v27+s4+$0x0], $0xffff  }
0xc3: {  	s17 =	sadd.s32 $0x80, s17;
	v61 =	vld.idx.msk [tilespmem:v30+s4+$0x0], $0xffff;
	[tilespmem:s14+$0x9400] =	vst v28;
	s16 =	rddreg [dreg:$0x1a];
	s14 =	smov.u32 s0  }
0xc4: {  	v24 =	vmov v29;
	v29 =	vadd.s32 v1, v19;
	s28 =	sand.u32 $0x70, s22;
	s29 =	sand.u32 $0x400, s17;
	s13 =	sadd.s32 s6, s15  }
0xc5: {  	v40 =	vadd.s32 v10, v19;
	s10 =	sor.u32 s8, s28;
	s13 =	sadd.s32 s3, s13;
	s9 =	sadd.s32 s6, s9  }
0xc6: {  	v36 =	vmov v25;
	v25 =	vadd.s32 v3, v19;
	s21 =	sadd.s32 s6, s21;
	s10 =	sor.u32 s29, s10;
	[tilespmem:s13+$0x0] =	vst v33;
	s9 =	sadd.s32 s3, s9  }
0xc7: {  	v39 =	vadd.s32 v6, v19;
	s15 =	rddreg [dreg:$0x1b];
	s18 =	sadd.s32 s3, s21;
	s0 =	smov.u32 s10;
	[tilespmem:s9+$0x0] =	vst v31  }
0xc8: {  	v42 =	vadd.s32 v5, v19;
	s24 =	rddreg [dreg:$0x19];
	s1 =	sadd.s32 s3, s1;
	s15 =	sadd.s32 s6, s15;
	v31 =	vld [tilespmem:s0+$0xC00];
	[tilespmem:s18+$0x0] =	vst v34  }
0xc9: {  	v62 =	vadd.s32 v15, v19;
	s16 =	sadd.s32 s6, s16;
	s13 =	sadd.s32 s3, s15;
	s18 =	sld [smem:$0x7F4];
	v34 =	vld.idx.msk [tilespmem:v29+s4+$0x0], $0xffff;
	[tilespmem:s1+$0x0] =	vst v21  }
0xca: {  	v27 =	vadd.s32 v9, v19;
	v44 =	vadd.s32 v12, v19;
	s21 =	rddreg [dreg:$0x18];
	s15 =	sadd.s32 s3, s16;
	s9 =	sadd.s32 s6, s24;
	v21 =	vld.idx.msk [tilespmem:v40+s4+$0x0], $0xffff;
	[tilespmem:s13+$0x0] =	vst v23  }
0xcb: {  	v30 =	vadd.s32 v7, v19;
	v47 =	vadd.s32 v2, v19;
	s10 =	smov.u32 s19;
	s19 =	rddreg [dreg:$0x1e];
	s9 =	sadd.s32 s3, s9;
	v28 =	vld.idx.msk [tilespmem:v25+s4+$0x0], $0xffff;
	[tilespmem:s15+$0x0] =	vst v35  }
0xcc: {  	v41 =	vadd.s32 v4, v19;
	v45 =	vadd.s32 v13, v19;
	s16 =	sadd.s32 s2, s21;
	s24 =	rddreg [dreg:$0x17];
	s1 =	sadd.s32 s6, s18;
	v35 =	vld.idx.msk [tilespmem:v39+s4+$0x0], $0xffff;
	[tilespmem:s9+$0x0] =	vst v61  }
0xcd: {  	v26 =	vmov v32;
	v43 =	vadd.s32 v11, v19;
	v46 =	vadd.s32 v14, v19;
	s21 =	sadd.s32 s2, s24;
	s24 =	rddreg [dreg:$0x13];
	s1 =	sadd.s32 s3, s1;
	v63 =	vld.idx.msk [tilespmem:v42+s4+$0x0], $0xffff;
	[tilespmem:s20+$0x0] =	vst v20  }
0xce: {  	s6 =	sadd.s32 s6, s19;
	s18 =	rddreg [dreg:$0x15];
	v29 =	vadd.s32 v0, v31;
	v32 =	vadd.s32 v8, v31;
	v19 =	vmov v31;
	v31 =	vld.idx.msk [tilespmem:v62+s4+$0x0], $0xffff;
	[tilespmem:s1+$0x0] =	vst v22  }
0xcf: {  	s19 =	rddreg [dreg:$0x14];
	s3 =	sadd.s32 s3, s6;
	v25 =	vld.idx.msk [tilespmem:v44+s4+$0x0], $0xffff;
	[tilespmem:s11+$0x0] =	vst v18  }
0xd0: {  	p0 =	slt.u32 s22, $0xF0;
	s15 =	rddreg [dreg:$0x1f];
	v23 =	vld.idx.msk [tilespmem:v47+s4+$0x0], $0xffff;
	[tilespmem:s3+$0x0] =	vst v36  }
.Ltmp2:
0xd1: {  	s24 =	sadd.s32 s2, s24;
	s9 =	rddreg [dreg:$0x16];
	v33 =	vld.idx.msk [tilespmem:v45+s4+$0x0], $0xffff;
	[tilespmem:s7+$0x0] =	vst v16;
	(pc) =	sbr.rel @p0 .LBB2_8-.Ltmp2, $4  }
0xd2: {  	s13 =	sadd.s32 s2, s18;
	s20 =	sadd.s32 s30, s16;
	s16 =	sadd.s32 s2, s9;
	v22 =	vld.idx.msk [tilespmem:v46+s4+$0x0], $0xffff;
	[tilespmem:s12+$0x0] =	vst v38  }
0xd3: {  	s18 =	rddreg [dreg:$0x1c];
	s1 =	sadd.s32 s2, s19;
	s19 =	sadd.s32 s30, s16;
	v16 =	vmov v34;
	v34 =	vld.idx.msk [tilespmem:v43+s4+$0x0], $0xffff;
	[tilespmem:s5+$0x0] =	vst v37  }
0xd4: {  	s11 =	sadd.s32 s30, s21;
	s21 =	rddreg [dreg:$0x1d];
	s7 =	sadd.s32 s30, s1;
	[tilespmem:s10+$0x0] =	vst v17  }
0xd5: {  	v20 =	vmov v35;
	s1 =	sadd.s32 s2, s18;
	s12 =	sadd.s32 s30, s13;
	v18 =	vmov v63;
	s5 =	sadd.s32 s30, s24;
	v17 =	vld.idx.msk [tilespmem:v41+s4+$0x0], $0xffff  }
0xd6: {  	_ =	sdelay $0x3  }
0xd7: {  	v26 =	vld.idx.msk [tilespmem:v26+s4+$0x0], $0xffff  }
0xd8: {  	v24 =	vld.idx.msk [tilespmem:v24+s4+$0x0], $0xffff;
	v35 =	vadd.s32 v1, v19  }
0xd9: {  	v27 =	vld.idx.msk [tilespmem:v27+s4+$0x0], $0xffff;
	v50 =	vadd.s32 v10, v19  }
0xda: {  	v30 =	vld.idx.msk [tilespmem:v30+s4+$0x0], $0xffff;
	v36 =	vadd.s32 v3, v19  }
0xdb: {  	s3 =	sld [smem:$0x7F5];
	v37 =	vadd.s32 v6, v19;
	v60 =	vld.idx.msk [tilespmem:v32+s4+$0x0], $0xffff  }
0xdc: {  	v51 =	vadd.s32 v5, v19;
	s10 =	rddreg [dreg:$0x18];
	v61 =	vld.idx.msk [tilespmem:v29+s4+$0x0], $0xffff  }
0xdd: {  	[tilespmem:s14+$0x9400] =	vst v28;
	v38 =	vadd.s32 v12, v19;
	s22 =	rddreg [dreg:$0x1f];
	v35 =	vld.idx.msk [tilespmem:v35+s4+$0x0], $0xffff  }
0xde: {  	v55 =	vadd.s32 v13, v19;
	s6 =	rddreg [dreg:$0x1b];
	v28 =	vld.idx.msk [tilespmem:v50+s4+$0x0], $0xffff  }
0xdf: {  	s9 =	sadd.s32 s2, s15;
	v39 =	vadd.s32 v14, v19;
	s8 =	rddreg [dreg:$0x1a];
	v54 =	vld.idx.msk [tilespmem:v36+s4+$0x0], $0xffff  }
0xe0: {  	v57 =	vadd.s32 v11, v19;
	s16 =	sadd.s32 s2, s6;
	s6 =	rddreg [dreg:$0x17];
	s3 =	sadd.s32 s2, s3;
	v37 =	vld.idx.msk [tilespmem:v37+s4+$0x0], $0xffff  }
0xe1: {  	v40 =	vadd.s32 v4, v19;
	s17 =	sadd.s32 s30, s16;
	s16 =	rddreg [dreg:$0x1d];
	s3 =	sadd.s32 s30, s3;
	v56 =	vld.idx.msk [tilespmem:v51+s4+$0x0], $0xffff  }
0xe2: {  	s15 =	sadd.s32 s2, s21;
	v41 =	vadd.s32 v9, v19;
	s14 =	sadd.s32 s30, s9;
	[tilespmem:s3+$0x0] =	vst v31;
	v38 =	vld.idx.msk [tilespmem:v38+s4+$0x0], $0xffff;
	s3 =	rddreg [dreg:$0x15]  }
0xe3: {  	v58 =	vadd.s32 v7, v19;
	s9 =	sadd.s32 s30, s15;
	v36 =	vld.idx.msk [tilespmem:v55+s4+$0x0], $0xffff;
	s13 =	rddreg [dreg:$0x19];
	[tilespmem:s14+$0x0] =	vst v33  }
0xe4: {  	v52 =	vadd.s32 v15, v19;
	s1 =	sadd.s32 s30, s1;
	v39 =	vld.idx.msk [tilespmem:v39+s4+$0x0], $0xffff;
	s14 =	rddreg [dreg:$0x14];
	[tilespmem:s9+$0x0] =	vst v34  }
0xe5: {  	v53 =	vadd.s32 v2, v19;
	s8 =	sadd.s32 s2, s8;
	v31 =	vld.idx.msk [tilespmem:v57+s4+$0x0], $0xffff;
	[tilespmem:s1+$0x0] =	vst v21;
	s1 =	rddreg [dreg:$0x16]  }
0xe6: {  	s8 =	sadd.s32 s30, s8;
	v59 =	vld.idx.msk [tilespmem:v40+s4+$0x0], $0xffff;
	s13 =	sadd.s32 s2, s13;
	s9 =	sld [smem:$0x7F4];
	[tilespmem:s17+$0x0] =	vst v27  }
0xe7: {  	v62 =	vld.idx.msk [tilespmem:v41+s4+$0x0], $0xffff;
	s13 =	sadd.s32 s30, s13;
	s18 =	rddreg [dreg:$0x1e];
	[tilespmem:s8+$0x0] =	vst v26  }
0xe8: {  	v63 =	vld.idx.msk [tilespmem:v58+s4+$0x0], $0xffff;
	s8 =	rddreg [dreg:$0x13];
	[tilespmem:s13+$0x0] =	vst v30  }
0xe9: {  	v33 =	vld.idx.msk [tilespmem:v52+s4+$0x0], $0xffff;
	s13 =	rddreg [dreg:$0x1c];
	s9 =	sadd.s32 s2, s9;
	[tilespmem:s20+$0x0] =	vst v20  }
0xea: {  	v34 =	vld.idx.msk [tilespmem:v53+s4+$0x0], $0xffff;
	s20 =	sld [smem:$0x7F5];
	[tilespmem:s0+$0x9400] =	vst v54;
	s9 =	sadd.s32 s30, s9  }
0xeb: {  	s21 =	sadd.s32 s2, s18;
	[tilespmem:s9+$0x0] =	vst v22  }
0xec: {  	s2 =	sadd.s32 s30, s21;
	[tilespmem:s11+$0x0] =	vst v18  }
0xed: {  	s24 =	sadd.s32 s29, s20;
	[tilespmem:s2+$0x0] =	vst v25  }
0xee: {  	s30 =	rddreg [dreg:$0x1b];
	s0 =	sadd.s32 s28, s24;
	[tilespmem:s7+$0x0] =	vst v16  }
0xef: {  	s15 =	sadd.s32 s29, s22;
	s7 =	rddreg [dreg:$0x1a];
	[tilespmem:s0+$0x0] =	vst v33  }
0xf0: {  	s17 =	sadd.s32 s28, s15;
	s18 =	sadd.s32 s29, s16;
	[tilespmem:s12+$0x0] =	vst v23  }
0xf1: {  	s9 =	sadd.s32 s28, s18;
	s20 =	rddreg [dreg:$0x19];
	[tilespmem:s17+$0x0] =	vst v36  }
0xf2: {  	s21 =	sadd.s32 s29, s13;
	[tilespmem:s9+$0x0] =	vst v31  }
0xf3: {  	s22 =	sadd.s32 s28, s21;
	[tilespmem:s5+$0x0] =	vst v24  }
0xf4: {  	s2 =	sadd.s32 s29, s30;
	[tilespmem:s22+$0x0] =	vst v28  }
0xf5: {  	s24 =	sadd.s32 s28, s2;
	s12 =	sadd.s32 s29, s7;
	[tilespmem:s19+$0x0] =	vst v17;
	s30 =	sld [smem:$0x7F4]  }
0xf6: {  	s13 =	sadd.s32 s29, s20;
	s5 =	sadd.s32 s28, s12;
	[tilespmem:s24+$0x0] =	vst v62  }
0xf7: {  	s16 =	sadd.s32 s29, s10;
	s0 =	sadd.s32 s28, s13;
	s15 =	rddreg [dreg:$0x1e];
	[tilespmem:s5+$0x0] =	vst v60  }
0xf8: {  	s17 =	sadd.s32 s28, s16;
	[tilespmem:s0+$0x0] =	vst v63;
	s18 =	sadd.s32 s29, s30  }
0xf9: {  	s19 =	sadd.s32 s29, s6;
	[tilespmem:s17+$0x0] =	vst v37;
	s0 =	sadd.s32 s28, s18  }
0xfa: {  	s26 =	sadd.s32 $0x1, s26;
	s2 =	sadd.s32 s28, s19;
	s20 =	sadd.s32 s29, s15;
	[tilespmem:s0+$0x0] =	vst v39  }
0xfb: {  	p0 =	sne.s32 s26, $0x8;
	s21 =	sadd.s32 s29, s14;
	s5 =	sadd.s32 s28, s20;
	[tilespmem:s2+$0x0] =	vst v56  }
.Ltmp3:
0xfc: {  	s22 =	sadd.s32 s29, s3;
	s0 =	sadd.s32 s28, s21;
	[tilespmem:s5+$0x0] =	vst v38;
	(pc) =	sbr.rel @p0 .LBB2_7-.Ltmp3, $4  }
0xfd: {  	s24 =	sadd.s32 s29, s8;
	s2 =	sadd.s32 s28, s22;
	[tilespmem:s0+$0x0] =	vst v35  }
0xfe: {  	s29 =	sadd.s32 s29, s1;
	s30 =	sadd.s32 s28, s24;
	[tilespmem:s2+$0x0] =	vst v34  }
0xff: {  	s0 =	sadd.s32 s28, s29;
	[tilespmem:s30+$0x0] =	vst v61  }
0x100: {  	[tilespmem:s0+$0x0] =	vst v59  }
0x101: {  	s0 =	sld [smem:$0x7FA]  }
0x102: {  	s1 =	sld [smem:$0x7F6];
	s23 =	sadd.s32 $0x1, s23  }
0x103: {  	p0 =	sne.s32 s23, $0x10  }
.Ltmp4:
0x104: {  	_ = 	snop;
	(pc) =	sbr.rel @p0 .LBB2_2-.Ltmp4, $4  }
0x105: {  	s0 =	sor.u32 s0, s1  }
0x106: {  	s29 =	rddreg [dreg:$0x2];
	s30 =	simm.s32 $0x800;
	s0 =	sshrl.u32 s0, $0x3  }
0x107: {  	s2 =	simm.s32 $0x10000;
	s3 =	simm.s32 $0x9400;
	s0 =	sadd.s32 s29, s0  }
0x108: {  	[hbm4b:s0+s30] =	stream.strided.scatter [tilespmem:s3], [sflag:$0x5], $0x8000, s2, s30, $0x38;
	[tilespmem:$0x11400] =	vst v63  }
0x109: {  	s0 =	simm.s32 $0x4  }
0x10a: {  	_ =	swait.ge [sflag:s0], $0x8000  }
0x10b: {  	[sflag:s0] =	ssyncset.done $0x0  }
0x10c: {  	s1 =	simm.s32 $0x5;
	[sflag:s0] =	ssyncadd.s32 $0xFFFF8000  }
0x10d: {  	_ =	swait.ge [sflag:s1], $0x8000  }
0x10e: {  	s2 =	sld [smem:$0x7F7]  }
0x10f: {  	s30 =	sld [smem:$0x7FD];
	_ =	sdelay $0x1  }
0x110: {  	s2 =	sadd.s32 $0x1, s2  }
0x111: {  	p0 =	sne.s32 s2, s30  }
.Ltmp5:
0x112: {  	_ = 	snop;
	(pc) =	sbr.rel @p0 .LBB2_1-.Ltmp5, $3  }
0x113: {  	_ =	sdelay $0x1  }
0x114: {  	[sflag:s1] =	ssyncset.done $0x0  }
0x115: {  	[sflag:s1] =	ssyncadd.s32 $0xFFFF8000  }
0x116: {  	_ =	sfence.sel $0x180000  }
0x117: {  	[bflag:$0x0] =	sbarrier.arrive $0xFFFF  }
0x118: {  	_ =	strace $0x90000047  }
0x119: {  	s0 =	stileid.u32;
	[bflag:$0x2] =	sbarrier.arrive $0xFFFF  }
0x11a: {  	p0 =	sne.s32 s0, $0x0;
	s0 =	rddreg [dreg:$0x3]  }
0x11b: {  	s0 =	sadd.s32 @!p0 $0x100000, s0  }
0x11c: {  	[sflag:s0] =	ssyncadd.tile.s32 @!p0 $0x1;
	_ =	shalt  }
.Lfunc_end2:
_tile_overlayer_lowered:
.L_overlay_start_2:
0x11d: {  	(tag) =	ssettag $0x2  }
0x11e: {  	s0 =	rddreg [dreg:$0x0];
	s2 =	stileid.u32  }
0x11f: {  	s1 =	rddreg [dreg:$0x1];
	p0 =	sne.s32 s2, $0x0  }
0x120: {  	s3 =	rddreg [dreg:$0x2];
	[bflag:$0x3] =	sbarrier.arrive $0xFFFF;
	s2 =	simm.s32 @!p0 $0x1C06  }
0x121: {  	[timem:s3], [sflag:s2] =	dma.local @!p0 [hbm:s0], s1  }
0x122: {  	s0 =	simm.s32 @!p0 $0x6  }
0x123: {  	_ =	swait.ge @!p0 [sflag:s0], s1  }
0x124: {  	s1 =	ssub.s32 @!p0 $0x0, s1;
	[sflag:s0] =	ssyncset.done @!p0 $0x0  }
0x125: {  	[sflag:s0] =	ssyncadd.s32 @!p0 s1  }
0x126: {  	[bflag:$0x3] =	sbarrier.arrive $0xFFFF  }
0x127: {  	_ =	shalt  }

</sc_bundles>
